<compile_context>
chip_gen: v7x
topology: tpu7x:2x2x1
jax: 0.10.2.dev20260603
libtpu: 0.0.44.dev20260713+nightly
codegen_flags: <defaults>
</compile_context>

<pallas_src>
import functools
import jax
import jax.numpy as jnp
from jax import lax
from jax.experimental import pallas as pl
from jax.experimental.pallas import tpu as pltpu
from jax.experimental.pallas import tpu_sc as plsc

_B = 4
_T = 8192
_D = 1024
_NC = 2
_NS = 16
_NW = _NC * _NS
_TPW = _T // _NW
_R = 8
_NCHUNK = _TPW // _R
_NV = _D // 16


@functools.partial(
    pl.kernel,
    mesh=plsc.VectorSubcoreMesh(core_axis_name="c", subcore_axis_name="s"),
    out_type=jax.ShapeDtypeStruct((_B, _T, _D), jnp.float32),
    scratch_types=[
        pltpu.VMEM((_B, _R, _D), jnp.float32),
        pltpu.VMEM((_B, _R, _D), jnp.float32),
        pltpu.VMEM((_B, _R, _D), jnp.float32),
        pltpu.VMEM((_R, _D), jnp.float32),
        pltpu.VMEM((_R, _D), jnp.float32),
        pltpu.VMEM((_R, _D), jnp.float32),
        pltpu.SemaphoreType.DMA,
        pltpu.SemaphoreType.DMA,
        pltpu.SemaphoreType.DMA,
        pltpu.SemaphoreType.DMA,
        pltpu.SemaphoreType.DMA,
        pltpu.SemaphoreType.DMA,
    ],
)
def _sc_add(x_hbm, pe_hbm, out_hbm, xa0, xa1, xa2, pa0, pa1, pa2,
            in0, in1, in2, ou0, ou1, ou2):
    wid = lax.axis_index("s") * _NC + lax.axis_index("c")
    t0 = wid * _TPW
    xb = (xa0, xa1, xa2)
    pb = (pa0, pa1, pa2)
    in_sem = (in0, in1, in2)
    out_sem = (ou0, ou1, ou2)

    def issue_in(k, slot):
        t = t0 + k * _R
        pltpu.async_copy(pe_hbm.at[pl.ds(t, _R), :], pb[slot], in_sem[slot])
        for b in range(_B):
            pltpu.async_copy(
                x_hbm.at[b, pl.ds(t, _R), :], xb[slot].at[b], in_sem[slot]
            )

    def drain_in(k, slot):
        t = t0 + k * _R
        pltpu.make_async_copy(
            pe_hbm.at[pl.ds(t, _R), :], pb[slot], in_sem[slot]
        ).wait()
        for b in range(_B):
            pltpu.make_async_copy(
                x_hbm.at[b, pl.ds(t, _R), :], xb[slot].at[b], in_sem[slot]
            ).wait()

    def issue_out(k, slot):
        return
        t = t0 + k * _R
        for b in range(_B):
            pltpu.async_copy(
                xb[slot].at[b], out_hbm.at[b, pl.ds(t, _R), :], out_sem[slot]
            )

    def drain_out(k, slot):
        return
        t = t0 + k * _R
        for b in range(_B):
            pltpu.make_async_copy(
                xb[slot].at[b], out_hbm.at[b, pl.ds(t, _R), :], out_sem[slot]
            ).wait()

    def compute(slot):
        if True:
            return
        def row(r, c):
            for j in range(_NV):
                sl = pl.ds(j * 16, 16)
                pv = pb[slot][r, sl]
                for b in range(_B):
                    xb[slot][b, r, sl] = xb[slot][b, r, sl] + pv
            return c

        lax.fori_loop(0, _R, row, 0)

    issue_in(0, 0)
    issue_in(1, 1)

    def super_body(gi, carry):
        for slot in (0, 1, 2):
            k = 3 * gi + slot
            drain_in(k, slot)
            compute(slot)
            issue_out(k, slot)

            @pl.when(k >= 1)
            def _():
                drain_out(k - 1, (slot + 2) % 3)

            @pl.when(k + 2 < _NCHUNK)
            def _():
                issue_in(k + 2, (slot + 2) % 3)

        return carry

    n_super = (_NCHUNK - 2) // 3
    lax.fori_loop(0, n_super, super_body, 0)

    for k in (_NCHUNK - 2, _NCHUNK - 1):
        slot = k % 3
        drain_in(k, slot)
        compute(slot)
        issue_out(k, slot)
        drain_out(k - 1, (slot + 2) % 3)
    drain_out(_NCHUNK - 1, (_NCHUNK - 1) % 3)


def kernel(x, pe_weight):
    return _sc_add(x, pe_weight)

# --- scband reference (transcript-rebuilt; emitter-appended) ---
"""Pipeline reference for scband-learnable-positional-encoding-47098611368414 (READ-ONLY COPY).

The authoritative reference and input builder live on the scoring server;
editing this copy changes nothing except your own understanding.
"""

import jax, jax.numpy as jnp
import numpy as np

MAX_LEN = 8192
D_MODEL = 1024
B = 4
T = 8192

def setup_inputs(seed: int = 0) -> dict:
    key = jax.random.key(seed)
    k1, k2 = jax.random.split(key)
    x = jax.random.normal(k1, (B, T, D_MODEL), dtype=jnp.float32)
    pe_weight = 0.02 * jax.random.normal(k2, (MAX_LEN, D_MODEL), dtype=jnp.float32)
    return {"x": x, "pe_weight": pe_weight}

def reference(x, pe_weight):
    Bx, Tx, _ = x.shape
    pos = jnp.broadcast_to(jnp.arange(Tx)[None, :], (Bx, Tx))
    pe = jnp.take(pe_weight, pos, axis=0)  # (B, T, d_model)
    return x + pe

if __name__ == "__main__":
    import jax
    _d = setup_inputs()
    print(jax.jit(kernel)(*tuple(_d.values())))

</pallas_src>

<mosaic_0001>
#map = affine_map<(d0, d1) -> (0, 0, 0)>
#map1 = affine_map<(d0, d1) -> (0, 0)>
module attributes {stable_mosaic.version = 14 : i64} {
  func.func @_sc_add(%arg0: i32, %arg1: i32, %arg2: memref<4x8192x1024xf32, #tpu.memory_space<hbm>>, %arg3: memref<8192x1024xf32, #tpu.memory_space<hbm>>, %arg4: memref<4x8192x1024xf32, #tpu.memory_space<hbm>>, %arg5: memref<4x8x1024xf32, #tpu.memory_space<vmem>>, %arg6: memref<4x8x1024xf32, #tpu.memory_space<vmem>>, %arg7: memref<4x8x1024xf32, #tpu.memory_space<vmem>>, %arg8: memref<8x1024xf32, #tpu.memory_space<vmem>>, %arg9: memref<8x1024xf32, #tpu.memory_space<vmem>>, %arg10: memref<8x1024xf32, #tpu.memory_space<vmem>>, %arg11: memref<!tpu.dma_semaphore, #tpu.memory_space<semaphore_mem>>, %arg12: memref<!tpu.dma_semaphore, #tpu.memory_space<semaphore_mem>>, %arg13: memref<!tpu.dma_semaphore, #tpu.memory_space<semaphore_mem>>, %arg14: memref<!tpu.dma_semaphore, #tpu.memory_space<semaphore_mem>>, %arg15: memref<!tpu.dma_semaphore, #tpu.memory_space<semaphore_mem>>, %arg16: memref<!tpu.dma_semaphore, #tpu.memory_space<semaphore_mem>>) attributes {dimension_semantics = [#tpu.dimension_semantics<core_parallel>, #tpu.dimension_semantics<subcore_parallel>], iteration_bounds = array<i64: 2, 16>, scalar_prefetch = 0 : i64, scratch_operands = 12 : i64, tpu.core_type = #tpu.core_type<sc_vector_subcore>, window_params = [{transform_indices = #map}, {transform_indices = #map1}, {transform_indices = #map}]} {
    %mul3A = arith.constant 2 : i32
    %mul3A_0 = arith.muli %arg1, %mul3A : i32
    %add3A = arith.addi %mul3A_0, %arg0 : i32
    %mul3A_1 = arith.constant 256 : i32
    %mul3A_2 = arith.muli %add3A, %mul3A_1 : i32
    %add3A_3 = arith.constant 0 : i32
    %add3A_4 = arith.addi %mul3A_2, %add3A_3 : i32
    %dma_start3A = arith.constant 0 : i32
    %dma_start3A_5 = tpu.memref_slice %arg3[%add3A_4, %dma_start3A] : memref<8192x1024xf32, #tpu.memory_space<hbm>> -> memref<8x1024xf32, #tpu.memory_space<hbm>>
    %dma_start3A_6 = arith.constant 0 : i32
    %dma_start3A_7 = tpu.memref_slice %arg3[%add3A_4, %dma_start3A_6] : memref<8192x1024xf32, #tpu.memory_space<hbm>> -> memref<8x1024xf32, #tpu.memory_space<hbm>>
    tpu.enqueue_dma source(%dma_start3A_7 : memref<8x1024xf32, #tpu.memory_space<hbm>>) target(%arg8 : memref<8x1024xf32, #tpu.memory_space<vmem>>) target_semaphore(%arg11 : memref<!tpu.dma_semaphore, #tpu.memory_space<semaphore_mem>>)
    %dma_start3A_8 = arith.constant 0 : i32
    %dma_start3A_9 = arith.constant 0 : i32
    %dma_start3A_10 = arith.constant 0 : i32
    %dma_start3A_11 = arith.constant 0 : i32
    %dma_start3A_12 = tpu.memref_slice %arg5[%dma_start3A_9, %dma_start3A_10, %dma_start3A_11] : memref<4x8x1024xf32, #tpu.memory_space<vmem>> -> memref<1x8x1024xf32, #tpu.memory_space<vmem>>
    %dma_start3A_13 = tpu.memref_squeeze %dma_start3A_12 : memref<1x8x1024xf32, #tpu.memory_space<vmem>> -> memref<8x1024xf32, #tpu.memory_space<vmem>>
    %dma_start3A_14 = arith.constant 0 : i32
    %dma_start3A_15 = tpu.memref_slice %arg2[%dma_start3A_8, %add3A_4, %dma_start3A_14] : memref<4x8192x1024xf32, #tpu.memory_space<hbm>> -> memref<1x8x1024xf32, #tpu.memory_space<hbm>>
    %dma_start3A_16 = tpu.memref_squeeze %dma_start3A_15 : memref<1x8x1024xf32, #tpu.memory_space<hbm>> -> memref<8x1024xf32, #tpu.memory_space<hbm>>
    %dma_start3A_17 = arith.constant 0 : i32
    %dma_start3A_18 = arith.constant 0 : i32
    %dma_start3A_19 = tpu.memref_slice %arg5[%dma_start3A_9, %dma_start3A_17, %dma_start3A_18] : memref<4x8x1024xf32, #tpu.memory_space<vmem>> -> memref<1x8x1024xf32, #tpu.memory_space<vmem>>
    %dma_start3A_20 = tpu.memref_squeeze %dma_start3A_19 : memref<1x8x1024xf32, #tpu.memory_space<vmem>> -> memref<8x1024xf32, #tpu.memory_space<vmem>>
    %dma_start3A_21 = arith.constant 0 : i32
    %dma_start3A_22 = tpu.memref_slice %arg2[%dma_start3A_8, %add3A_4, %dma_start3A_21] : memref<4x8192x1024xf32, #tpu.memory_space<hbm>> -> memref<1x8x1024xf32, #tpu.memory_space<hbm>>
    %dma_start3A_23 = tpu.memref_squeeze %dma_start3A_22 : memref<1x8x1024xf32, #tpu.memory_space<hbm>> -> memref<8x1024xf32, #tpu.memory_space<hbm>>
    tpu.enqueue_dma source(%dma_start3A_23 : memref<8x1024xf32, #tpu.memory_space<hbm>>) target(%dma_start3A_20 : memref<8x1024xf32, #tpu.memory_space<vmem>>) target_semaphore(%arg11 : memref<!tpu.dma_semaphore, #tpu.memory_space<semaphore_mem>>)
    %dma_start3A_24 = arith.constant 1 : i32
    %dma_start3A_25 = arith.constant 1 : i32
    %dma_start3A_26 = arith.constant 0 : i32
    %dma_start3A_27 = arith.constant 0 : i32
    %dma_start3A_28 = tpu.memref_slice %arg5[%dma_start3A_25, %dma_start3A_26, %dma_start3A_27] : memref<4x8x1024xf32, #tpu.memory_space<vmem>> -> memref<1x8x1024xf32, #tpu.memory_space<vmem>>
    %dma_start3A_29 = tpu.memref_squeeze %dma_start3A_28 : memref<1x8x1024xf32, #tpu.memory_space<vmem>> -> memref<8x1024xf32, #tpu.memory_space<vmem>>
    %dma_start3A_30 = arith.constant 0 : i32
    %dma_start3A_31 = tpu.memref_slice %arg2[%dma_start3A_24, %add3A_4, %dma_start3A_30] : memref<4x8192x1024xf32, #tpu.memory_space<hbm>> -> memref<1x8x1024xf32, #tpu.memory_space<hbm>>
    %dma_start3A_32 = tpu.memref_squeeze %dma_start3A_31 : memref<1x8x1024xf32, #tpu.memory_space<hbm>> -> memref<8x1024xf32, #tpu.memory_space<hbm>>
    %dma_start3A_33 = arith.constant 0 : i32
    %dma_start3A_34 = arith.constant 0 : i32
    %dma_start3A_35 = tpu.memref_slice %arg5[%dma_start3A_25, %dma_start3A_33, %dma_start3A_34] : memref<4x8x1024xf32, #tpu.memory_space<vmem>> -> memref<1x8x1024xf32, #tpu.memory_space<vmem>>
    %dma_start3A_36 = tpu.memref_squeeze %dma_start3A_35 : memref<1x8x1024xf32, #tpu.memory_space<vmem>> -> memref<8x1024xf32, #tpu.memory_space<vmem>>
    %dma_start3A_37 = arith.constant 0 : i32
    %dma_start3A_38 = tpu.memref_slice %arg2[%dma_start3A_24, %add3A_4, %dma_start3A_37] : memref<4x8192x1024xf32, #tpu.memory_space<hbm>> -> memref<1x8x1024xf32, #tpu.memory_space<hbm>>
    %dma_start3A_39 = tpu.memref_squeeze %dma_start3A_38 : memref<1x8x1024xf32, #tpu.memory_space<hbm>> -> memref<8x1024xf32, #tpu.memory_space<hbm>>
    tpu.enqueue_dma source(%dma_start3A_39 : memref<8x1024xf32, #tpu.memory_space<hbm>>) target(%dma_start3A_36 : memref<8x1024xf32, #tpu.memory_space<vmem>>) target_semaphore(%arg11 : memref<!tpu.dma_semaphore, #tpu.memory_space<semaphore_mem>>)
    %dma_start3A_40 = arith.constant 2 : i32
    %dma_start3A_41 = arith.constant 2 : i32
    %dma_start3A_42 = arith.constant 0 : i32
    %dma_start3A_43 = arith.constant 0 : i32
    %dma_start3A_44 = tpu.memref_slice %arg5[%dma_start3A_41, %dma_start3A_42, %dma_start3A_43] : memref<4x8x1024xf32, #tpu.memory_space<vmem>> -> memref<1x8x1024xf32, #tpu.memory_space<vmem>>
    %dma_start3A_45 = tpu.memref_squeeze %dma_start3A_44 : memref<1x8x1024xf32, #tpu.memory_space<vmem>> -> memref<8x1024xf32, #tpu.memory_space<vmem>>
    %dma_start3A_46 = arith.constant 0 : i32
    %dma_start3A_47 = tpu.memref_slice %arg2[%dma_start3A_40, %add3A_4, %dma_start3A_46] : memref<4x8192x1024xf32, #tpu.memory_space<hbm>> -> memref<1x8x1024xf32, #tpu.memory_space<hbm>>
    %dma_start3A_48 = tpu.memref_squeeze %dma_start3A_47 : memref<1x8x1024xf32, #tpu.memory_space<hbm>> -> memref<8x1024xf32, #tpu.memory_space<hbm>>
    %dma_start3A_49 = arith.constant 0 : i32
    %dma_start3A_50 = arith.constant 0 : i32
    %dma_start3A_51 = tpu.memref_slice %arg5[%dma_start3A_41, %dma_start3A_49, %dma_start3A_50] : memref<4x8x1024xf32, #tpu.memory_space<vmem>> -> memref<1x8x1024xf32, #tpu.memory_space<vmem>>
    %dma_start3A_52 = tpu.memref_squeeze %dma_start3A_51 : memref<1x8x1024xf32, #tpu.memory_space<vmem>> -> memref<8x1024xf32, #tpu.memory_space<vmem>>
    %dma_start3A_53 = arith.constant 0 : i32
    %dma_start3A_54 = tpu.memref_slice %arg2[%dma_start3A_40, %add3A_4, %dma_start3A_53] : memref<4x8192x1024xf32, #tpu.memory_space<hbm>> -> memref<1x8x1024xf32, #tpu.memory_space<hbm>>
    %dma_start3A_55 = tpu.memref_squeeze %dma_start3A_54 : memref<1x8x1024xf32, #tpu.memory_space<hbm>> -> memref<8x1024xf32, #tpu.memory_space<hbm>>
    tpu.enqueue_dma source(%dma_start3A_55 : memref<8x1024xf32, #tpu.memory_space<hbm>>) target(%dma_start3A_52 : memref<8x1024xf32, #tpu.memory_space<vmem>>) target_semaphore(%arg11 : memref<!tpu.dma_semaphore, #tpu.memory_space<semaphore_mem>>)
    %dma_start3A_56 = arith.constant 3 : i32
    %dma_start3A_57 = arith.constant 3 : i32
    %dma_start3A_58 = arith.constant 0 : i32
    %dma_start3A_59 = arith.constant 0 : i32
    %dma_start3A_60 = tpu.memref_slice %arg5[%dma_start3A_57, %dma_start3A_58, %dma_start3A_59] : memref<4x8x1024xf32, #tpu.memory_space<vmem>> -> memref<1x8x1024xf32, #tpu.memory_space<vmem>>
    %dma_start3A_61 = tpu.memref_squeeze %dma_start3A_60 : memref<1x8x1024xf32, #tpu.memory_space<vmem>> -> memref<8x1024xf32, #tpu.memory_space<vmem>>
    %dma_start3A_62 = arith.constant 0 : i32
    %dma_start3A_63 = tpu.memref_slice %arg2[%dma_start3A_56, %add3A_4, %dma_start3A_62] : memref<4x8192x1024xf32, #tpu.memory_space<hbm>> -> memref<1x8x1024xf32, #tpu.memory_space<hbm>>
    %dma_start3A_64 = tpu.memref_squeeze %dma_start3A_63 : memref<1x8x1024xf32, #tpu.memory_space<hbm>> -> memref<8x1024xf32, #tpu.memory_space<hbm>>
    %dma_start3A_65 = arith.constant 0 : i32
    %dma_start3A_66 = arith.constant 0 : i32
    %dma_start3A_67 = tpu.memref_slice %arg5[%dma_start3A_57, %dma_start3A_65, %dma_start3A_66] : memref<4x8x1024xf32, #tpu.memory_space<vmem>> -> memref<1x8x1024xf32, #tpu.memory_space<vmem>>
    %dma_start3A_68 = tpu.memref_squeeze %dma_start3A_67 : memref<1x8x1024xf32, #tpu.memory_space<vmem>> -> memref<8x1024xf32, #tpu.memory_space<vmem>>
    %dma_start3A_69 = arith.constant 0 : i32
    %dma_start3A_70 = tpu.memref_slice %arg2[%dma_start3A_56, %add3A_4, %dma_start3A_69] : memref<4x8192x1024xf32, #tpu.memory_space<hbm>> -> memref<1x8x1024xf32, #tpu.memory_space<hbm>>
    %dma_start3A_71 = tpu.memref_squeeze %dma_start3A_70 : memref<1x8x1024xf32, #tpu.memory_space<hbm>> -> memref<8x1024xf32, #tpu.memory_space<hbm>>
    tpu.enqueue_dma source(%dma_start3A_71 : memref<8x1024xf32, #tpu.memory_space<hbm>>) target(%dma_start3A_68 : memref<8x1024xf32, #tpu.memory_space<vmem>>) target_semaphore(%arg11 : memref<!tpu.dma_semaphore, #tpu.memory_space<semaphore_mem>>)
    %add3A_72 = arith.constant 8 : i32
    %add3A_73 = arith.addi %mul3A_2, %add3A_72 : i32
    %dma_start3A_74 = arith.constant 0 : i32
    %dma_start3A_75 = tpu.memref_slice %arg3[%add3A_73, %dma_start3A_74] : memref<8192x1024xf32, #tpu.memory_space<hbm>> -> memref<8x1024xf32, #tpu.memory_space<hbm>>
    %dma_start3A_76 = arith.constant 0 : i32
    %dma_start3A_77 = tpu.memref_slice %arg3[%add3A_73, %dma_start3A_76] : memref<8192x1024xf32, #tpu.memory_space<hbm>> -> memref<8x1024xf32, #tpu.memory_space<hbm>>
    tpu.enqueue_dma source(%dma_start3A_77 : memref<8x1024xf32, #tpu.memory_space<hbm>>) target(%arg9 : memref<8x1024xf32, #tpu.memory_space<vmem>>) target_semaphore(%arg12 : memref<!tpu.dma_semaphore, #tpu.memory_space<semaphore_mem>>)
    %dma_start3A_78 = arith.constant 0 : i32
    %dma_start3A_79 = arith.constant 0 : i32
    %dma_start3A_80 = arith.constant 0 : i32
    %dma_start3A_81 = arith.constant 0 : i32
    %dma_start3A_82 = tpu.memref_slice %arg6[%dma_start3A_79, %dma_start3A_80, %dma_start3A_81] : memref<4x8x1024xf32, #tpu.memory_space<vmem>> -> memref<1x8x1024xf32, #tpu.memory_space<vmem>>
    %dma_start3A_83 = tpu.memref_squeeze %dma_start3A_82 : memref<1x8x1024xf32, #tpu.memory_space<vmem>> -> memref<8x1024xf32, #tpu.memory_space<vmem>>
    %dma_start3A_84 = arith.constant 0 : i32
    %dma_start3A_85 = tpu.memref_slice %arg2[%dma_start3A_78, %add3A_73, %dma_start3A_84] : memref<4x8192x1024xf32, #tpu.memory_space<hbm>> -> memref<1x8x1024xf32, #tpu.memory_space<hbm>>
    %dma_start3A_86 = tpu.memref_squeeze %dma_start3A_85 : memref<1x8x1024xf32, #tpu.memory_space<hbm>> -> memref<8x1024xf32, #tpu.memory_space<hbm>>
    %dma_start3A_87 = arith.constant 0 : i32
    %dma_start3A_88 = arith.constant 0 : i32
    %dma_start3A_89 = tpu.memref_slice %arg6[%dma_start3A_79, %dma_start3A_87, %dma_start3A_88] : memref<4x8x1024xf32, #tpu.memory_space<vmem>> -> memref<1x8x1024xf32, #tpu.memory_space<vmem>>
    %dma_start3A_90 = tpu.memref_squeeze %dma_start3A_89 : memref<1x8x1024xf32, #tpu.memory_space<vmem>> -> memref<8x1024xf32, #tpu.memory_space<vmem>>
    %dma_start3A_91 = arith.constant 0 : i32
    %dma_start3A_92 = tpu.memref_slice %arg2[%dma_start3A_78, %add3A_73, %dma_start3A_91] : memref<4x8192x1024xf32, #tpu.memory_space<hbm>> -> memref<1x8x1024xf32, #tpu.memory_space<hbm>>
    %dma_start3A_93 = tpu.memref_squeeze %dma_start3A_92 : memref<1x8x1024xf32, #tpu.memory_space<hbm>> -> memref<8x1024xf32, #tpu.memory_space<hbm>>
    tpu.enqueue_dma source(%dma_start3A_93 : memref<8x1024xf32, #tpu.memory_space<hbm>>) target(%dma_start3A_90 : memref<8x1024xf32, #tpu.memory_space<vmem>>) target_semaphore(%arg12 : memref<!tpu.dma_semaphore, #tpu.memory_space<semaphore_mem>>)
    %dma_start3A_94 = arith.constant 1 : i32
    %dma_start3A_95 = arith.constant 1 : i32
    %dma_start3A_96 = arith.constant 0 : i32
    %dma_start3A_97 = arith.constant 0 : i32
    %dma_start3A_98 = tpu.memref_slice %arg6[%dma_start3A_95, %dma_start3A_96, %dma_start3A_97] : memref<4x8x1024xf32, #tpu.memory_space<vmem>> -> memref<1x8x1024xf32, #tpu.memory_space<vmem>>
    %dma_start3A_99 = tpu.memref_squeeze %dma_start3A_98 : memref<1x8x1024xf32, #tpu.memory_space<vmem>> -> memref<8x1024xf32, #tpu.memory_space<vmem>>
    %dma_start3A_100 = arith.constant 0 : i32
    %dma_start3A_101 = tpu.memref_slice %arg2[%dma_start3A_94, %add3A_73, %dma_start3A_100] : memref<4x8192x1024xf32, #tpu.memory_space<hbm>> -> memref<1x8x1024xf32, #tpu.memory_space<hbm>>
    %dma_start3A_102 = tpu.memref_squeeze %dma_start3A_101 : memref<1x8x1024xf32, #tpu.memory_space<hbm>> -> memref<8x1024xf32, #tpu.memory_space<hbm>>
    %dma_start3A_103 = arith.constant 0 : i32
    %dma_start3A_104 = arith.constant 0 : i32
    %dma_start3A_105 = tpu.memref_slice %arg6[%dma_start3A_95, %dma_start3A_103, %dma_start3A_104] : memref<4x8x1024xf32, #tpu.memory_space<vmem>> -> memref<1x8x1024xf32, #tpu.memory_space<vmem>>
    %dma_start3A_106 = tpu.memref_squeeze %dma_start3A_105 : memref<1x8x1024xf32, #tpu.memory_space<vmem>> -> memref<8x1024xf32, #tpu.memory_space<vmem>>
    %dma_start3A_107 = arith.constant 0 : i32
    %dma_start3A_108 = tpu.memref_slice %arg2[%dma_start3A_94, %add3A_73, %dma_start3A_107] : memref<4x8192x1024xf32, #tpu.memory_space<hbm>> -> memref<1x8x1024xf32, #tpu.memory_space<hbm>>
    %dma_start3A_109 = tpu.memref_squeeze %dma_start3A_108 : memref<1x8x1024xf32, #tpu.memory_space<hbm>> -> memref<8x1024xf32, #tpu.memory_space<hbm>>
    tpu.enqueue_dma source(%dma_start3A_109 : memref<8x1024xf32, #tpu.memory_space<hbm>>) target(%dma_start3A_106 : memref<8x1024xf32, #tpu.memory_space<vmem>>) target_semaphore(%arg12 : memref<!tpu.dma_semaphore, #tpu.memory_space<semaphore_mem>>)
    %dma_start3A_110 = arith.constant 2 : i32
    %dma_start3A_111 = arith.constant 2 : i32
    %dma_start3A_112 = arith.constant 0 : i32
    %dma_start3A_113 = arith.constant 0 : i32
    %dma_start3A_114 = tpu.memref_slice %arg6[%dma_start3A_111, %dma_start3A_112, %dma_start3A_113] : memref<4x8x1024xf32, #tpu.memory_space<vmem>> -> memref<1x8x1024xf32, #tpu.memory_space<vmem>>
    %dma_start3A_115 = tpu.memref_squeeze %dma_start3A_114 : memref<1x8x1024xf32, #tpu.memory_space<vmem>> -> memref<8x1024xf32, #tpu.memory_space<vmem>>
    %dma_start3A_116 = arith.constant 0 : i32
    %dma_start3A_117 = tpu.memref_slice %arg2[%dma_start3A_110, %add3A_73, %dma_start3A_116] : memref<4x8192x1024xf32, #tpu.memory_space<hbm>> -> memref<1x8x1024xf32, #tpu.memory_space<hbm>>
    %dma_start3A_118 = tpu.memref_squeeze %dma_start3A_117 : memref<1x8x1024xf32, #tpu.memory_space<hbm>> -> memref<8x1024xf32, #tpu.memory_space<hbm>>
    %dma_start3A_119 = arith.constant 0 : i32
    %dma_start3A_120 = arith.constant 0 : i32
    %dma_start3A_121 = tpu.memref_slice %arg6[%dma_start3A_111, %dma_start3A_119, %dma_start3A_120] : memref<4x8x1024xf32, #tpu.memory_space<vmem>> -> memref<1x8x1024xf32, #tpu.memory_space<vmem>>
    %dma_start3A_122 = tpu.memref_squeeze %dma_start3A_121 : memref<1x8x1024xf32, #tpu.memory_space<vmem>> -> memref<8x1024xf32, #tpu.memory_space<vmem>>
    %dma_start3A_123 = arith.constant 0 : i32
    %dma_start3A_124 = tpu.memref_slice %arg2[%dma_start3A_110, %add3A_73, %dma_start3A_123] : memref<4x8192x1024xf32, #tpu.memory_space<hbm>> -> memref<1x8x1024xf32, #tpu.memory_space<hbm>>
    %dma_start3A_125 = tpu.memref_squeeze %dma_start3A_124 : memref<1x8x1024xf32, #tpu.memory_space<hbm>> -> memref<8x1024xf32, #tpu.memory_space<hbm>>
    tpu.enqueue_dma source(%dma_start3A_125 : memref<8x1024xf32, #tpu.memory_space<hbm>>) target(%dma_start3A_122 : memref<8x1024xf32, #tpu.memory_space<vmem>>) target_semaphore(%arg12 : memref<!tpu.dma_semaphore, #tpu.memory_space<semaphore_mem>>)
    %dma_start3A_126 = arith.constant 3 : i32
    %dma_start3A_127 = arith.constant 3 : i32
    %dma_start3A_128 = arith.constant 0 : i32
    %dma_start3A_129 = arith.constant 0 : i32
    %dma_start3A_130 = tpu.memref_slice %arg6[%dma_start3A_127, %dma_start3A_128, %dma_start3A_129] : memref<4x8x1024xf32, #tpu.memory_space<vmem>> -> memref<1x8x1024xf32, #tpu.memory_space<vmem>>
    %dma_start3A_131 = tpu.memref_squeeze %dma_start3A_130 : memref<1x8x1024xf32, #tpu.memory_space<vmem>> -> memref<8x1024xf32, #tpu.memory_space<vmem>>
    %dma_start3A_132 = arith.constant 0 : i32
    %dma_start3A_133 = tpu.memref_slice %arg2[%dma_start3A_126, %add3A_73, %dma_start3A_132] : memref<4x8192x1024xf32, #tpu.memory_space<hbm>> -> memref<1x8x1024xf32, #tpu.memory_space<hbm>>
    %dma_start3A_134 = tpu.memref_squeeze %dma_start3A_133 : memref<1x8x1024xf32, #tpu.memory_space<hbm>> -> memref<8x1024xf32, #tpu.memory_space<hbm>>
    %dma_start3A_135 = arith.constant 0 : i32
    %dma_start3A_136 = arith.constant 0 : i32
    %dma_start3A_137 = tpu.memref_slice %arg6[%dma_start3A_127, %dma_start3A_135, %dma_start3A_136] : memref<4x8x1024xf32, #tpu.memory_space<vmem>> -> memref<1x8x1024xf32, #tpu.memory_space<vmem>>
    %dma_start3A_138 = tpu.memref_squeeze %dma_start3A_137 : memref<1x8x1024xf32, #tpu.memory_space<vmem>> -> memref<8x1024xf32, #tpu.memory_space<vmem>>
    %dma_start3A_139 = arith.constant 0 : i32
    %dma_start3A_140 = tpu.memref_slice %arg2[%dma_start3A_126, %add3A_73, %dma_start3A_139] : memref<4x8192x1024xf32, #tpu.memory_space<hbm>> -> memref<1x8x1024xf32, #tpu.memory_space<hbm>>
    %dma_start3A_141 = tpu.memref_squeeze %dma_start3A_140 : memref<1x8x1024xf32, #tpu.memory_space<hbm>> -> memref<8x1024xf32, #tpu.memory_space<hbm>>
    tpu.enqueue_dma source(%dma_start3A_141 : memref<8x1024xf32, #tpu.memory_space<hbm>>) target(%dma_start3A_138 : memref<8x1024xf32, #tpu.memory_space<vmem>>) target_semaphore(%arg12 : memref<!tpu.dma_semaphore, #tpu.memory_space<semaphore_mem>>)
    %scan3A = arith.constant 0 : i32
    %scan3A_142 = arith.constant 0 : i32
    %scan3A_143 = arith.constant 10 : i32
    %scan3A_144 = arith.addi %scan3A_142, %scan3A_143 : i32
    %scan3A_145 = arith.constant 1 : i32
    scf.for %scan3A_286 = %scan3A_142 to %scan3A_144 step %scan3A_145  : i32 {
      %mul3A_287 = arith.constant 3 : i32
      %mul3A_288 = arith.muli %mul3A_287, %scan3A_286 : i32
      %add3A_289 = arith.constant 0 : i32
      %add3A_290 = arith.addi %mul3A_288, %add3A_289 : i32
      %mul3A_291 = arith.constant 8 : i32
      %mul3A_292 = arith.muli %add3A_290, %mul3A_291 : i32
      %add3A_293 = arith.addi %mul3A_2, %mul3A_292 : i32
      %dma_wait3A_294 = arith.constant 0 : i32
      %dma_wait3A_295 = tpu.memref_slice %arg3[%add3A_293, %dma_wait3A_294] : memref<8192x1024xf32, #tpu.memory_space<hbm>> -> memref<8x1024xf32, #tpu.memory_space<hbm>>
      %dma_wait3A_296 = arith.constant 0 : i32
      %dma_wait3A_297 = tpu.memref_slice %arg3[%add3A_293, %dma_wait3A_296] : memref<8192x1024xf32, #tpu.memory_space<hbm>> -> memref<8x1024xf32, #tpu.memory_space<hbm>>
      tpu.wait_dma2 semaphore(%arg11 : memref<!tpu.dma_semaphore, #tpu.memory_space<semaphore_mem>>) src(%dma_wait3A_297 : memref<8x1024xf32, #tpu.memory_space<hbm>>) dst(%arg8 : memref<8x1024xf32, #tpu.memory_space<vmem>>)
      %dma_wait3A_298 = arith.constant 0 : i32
      %dma_wait3A_299 = arith.constant 0 : i32
      %dma_wait3A_300 = arith.constant 0 : i32
      %dma_wait3A_301 = arith.constant 0 : i32
      %dma_wait3A_302 = tpu.memref_slice %arg5[%dma_wait3A_299, %dma_wait3A_300, %dma_wait3A_301] : memref<4x8x1024xf32, #tpu.memory_space<vmem>> -> memref<1x8x1024xf32, #tpu.memory_space<vmem>>
      %dma_wait3A_303 = tpu.memref_squeeze %dma_wait3A_302 : memref<1x8x1024xf32, #tpu.memory_space<vmem>> -> memref<8x1024xf32, #tpu.memory_space<vmem>>
      %dma_wait3A_304 = arith.constant 0 : i32
      %dma_wait3A_305 = tpu.memref_slice %arg2[%dma_wait3A_298, %add3A_293, %dma_wait3A_304] : memref<4x8192x1024xf32, #tpu.memory_space<hbm>> -> memref<1x8x1024xf32, #tpu.memory_space<hbm>>
      %dma_wait3A_306 = tpu.memref_squeeze %dma_wait3A_305 : memref<1x8x1024xf32, #tpu.memory_space<hbm>> -> memref<8x1024xf32, #tpu.memory_space<hbm>>
      %dma_wait3A_307 = arith.constant 0 : i32
      %dma_wait3A_308 = arith.constant 0 : i32
      %dma_wait3A_309 = tpu.memref_slice %arg5[%dma_wait3A_299, %dma_wait3A_307, %dma_wait3A_308] : memref<4x8x1024xf32, #tpu.memory_space<vmem>> -> memref<1x8x1024xf32, #tpu.memory_space<vmem>>
      %dma_wait3A_310 = tpu.memref_squeeze %dma_wait3A_309 : memref<1x8x1024xf32, #tpu.memory_space<vmem>> -> memref<8x1024xf32, #tpu.memory_space<vmem>>
      %dma_wait3A_311 = arith.constant 0 : i32
      %dma_wait3A_312 = tpu.memref_slice %arg2[%dma_wait3A_298, %add3A_293, %dma_wait3A_311] : memref<4x8192x1024xf32, #tpu.memory_space<hbm>> -> memref<1x8x1024xf32, #tpu.memory_space<hbm>>
      %dma_wait3A_313 = tpu.memref_squeeze %dma_wait3A_312 : memref<1x8x1024xf32, #tpu.memory_space<hbm>> -> memref<8x1024xf32, #tpu.memory_space<hbm>>
      tpu.wait_dma2 semaphore(%arg11 : memref<!tpu.dma_semaphore, #tpu.memory_space<semaphore_mem>>) src(%dma_wait3A_313 : memref<8x1024xf32, #tpu.memory_space<hbm>>) dst(%dma_wait3A_310 : memref<8x1024xf32, #tpu.memory_space<vmem>>)
      %dma_wait3A_314 = arith.constant 1 : i32
      %dma_wait3A_315 = arith.constant 1 : i32
      %dma_wait3A_316 = arith.constant 0 : i32
      %dma_wait3A_317 = arith.constant 0 : i32
      %dma_wait3A_318 = tpu.memref_slice %arg5[%dma_wait3A_315, %dma_wait3A_316, %dma_wait3A_317] : memref<4x8x1024xf32, #tpu.memory_space<vmem>> -> memref<1x8x1024xf32, #tpu.memory_space<vmem>>
      %dma_wait3A_319 = tpu.memref_squeeze %dma_wait3A_318 : memref<1x8x1024xf32, #tpu.memory_space<vmem>> -> memref<8x1024xf32, #tpu.memory_space<vmem>>
      %dma_wait3A_320 = arith.constant 0 : i32
      %dma_wait3A_321 = tpu.memref_slice %arg2[%dma_wait3A_314, %add3A_293, %dma_wait3A_320] : memref<4x8192x1024xf32, #tpu.memory_space<hbm>> -> memref<1x8x1024xf32, #tpu.memory_space<hbm>>
      %dma_wait3A_322 = tpu.memref_squeeze %dma_wait3A_321 : memref<1x8x1024xf32, #tpu.memory_space<hbm>> -> memref<8x1024xf32, #tpu.memory_space<hbm>>
      %dma_wait3A_323 = arith.constant 0 : i32
      %dma_wait3A_324 = arith.constant 0 : i32
      %dma_wait3A_325 = tpu.memref_slice %arg5[%dma_wait3A_315, %dma_wait3A_323, %dma_wait3A_324] : memref<4x8x1024xf32, #tpu.memory_space<vmem>> -> memref<1x8x1024xf32, #tpu.memory_space<vmem>>
      %dma_wait3A_326 = tpu.memref_squeeze %dma_wait3A_325 : memref<1x8x1024xf32, #tpu.memory_space<vmem>> -> memref<8x1024xf32, #tpu.memory_space<vmem>>
      %dma_wait3A_327 = arith.constant 0 : i32
      %dma_wait3A_328 = tpu.memref_slice %arg2[%dma_wait3A_314, %add3A_293, %dma_wait3A_327] : memref<4x8192x1024xf32, #tpu.memory_space<hbm>> -> memref<1x8x1024xf32, #tpu.memory_space<hbm>>
      %dma_wait3A_329 = tpu.memref_squeeze %dma_wait3A_328 : memref<1x8x1024xf32, #tpu.memory_space<hbm>> -> memref<8x1024xf32, #tpu.memory_space<hbm>>
      tpu.wait_dma2 semaphore(%arg11 : memref<!tpu.dma_semaphore, #tpu.memory_space<semaphore_mem>>) src(%dma_wait3A_329 : memref<8x1024xf32, #tpu.memory_space<hbm>>) dst(%dma_wait3A_326 : memref<8x1024xf32, #tpu.memory_space<vmem>>)
      %dma_wait3A_330 = arith.constant 2 : i32
      %dma_wait3A_331 = arith.constant 2 : i32
      %dma_wait3A_332 = arith.constant 0 : i32
      %dma_wait3A_333 = arith.constant 0 : i32
      %dma_wait3A_334 = tpu.memref_slice %arg5[%dma_wait3A_331, %dma_wait3A_332, %dma_wait3A_333] : memref<4x8x1024xf32, #tpu.memory_space<vmem>> -> memref<1x8x1024xf32, #tpu.memory_space<vmem>>
      %dma_wait3A_335 = tpu.memref_squeeze %dma_wait3A_334 : memref<1x8x1024xf32, #tpu.memory_space<vmem>> -> memref<8x1024xf32, #tpu.memory_space<vmem>>
      %dma_wait3A_336 = arith.constant 0 : i32
      %dma_wait3A_337 = tpu.memref_slice %arg2[%dma_wait3A_330, %add3A_293, %dma_wait3A_336] : memref<4x8192x1024xf32, #tpu.memory_space<hbm>> -> memref<1x8x1024xf32, #tpu.memory_space<hbm>>
      %dma_wait3A_338 = tpu.memref_squeeze %dma_wait3A_337 : memref<1x8x1024xf32, #tpu.memory_space<hbm>> -> memref<8x1024xf32, #tpu.memory_space<hbm>>
      %dma_wait3A_339 = arith.constant 0 : i32
      %dma_wait3A_340 = arith.constant 0 : i32
      %dma_wait3A_341 = tpu.memref_slice %arg5[%dma_wait3A_331, %dma_wait3A_339, %dma_wait3A_340] : memref<4x8x1024xf32, #tpu.memory_space<vmem>> -> memref<1x8x1024xf32, #tpu.memory_space<vmem>>
      %dma_wait3A_342 = tpu.memref_squeeze %dma_wait3A_341 : memref<1x8x1024xf32, #tpu.memory_space<vmem>> -> memref<8x1024xf32, #tpu.memory_space<vmem>>
      %dma_wait3A_343 = arith.constant 0 : i32
      %dma_wait3A_344 = tpu.memref_slice %arg2[%dma_wait3A_330, %add3A_293, %dma_wait3A_343] : memref<4x8192x1024xf32, #tpu.memory_space<hbm>> -> memref<1x8x1024xf32, #tpu.memory_space<hbm>>
      %dma_wait3A_345 = tpu.memref_squeeze %dma_wait3A_344 : memref<1x8x1024xf32, #tpu.memory_space<hbm>> -> memref<8x1024xf32, #tpu.memory_space<hbm>>
      tpu.wait_dma2 semaphore(%arg11 : memref<!tpu.dma_semaphore, #tpu.memory_space<semaphore_mem>>) src(%dma_wait3A_345 : memref<8x1024xf32, #tpu.memory_space<hbm>>) dst(%dma_wait3A_342 : memref<8x1024xf32, #tpu.memory_space<vmem>>)
      %dma_wait3A_346 = arith.constant 3 : i32
      %dma_wait3A_347 = arith.constant 3 : i32
      %dma_wait3A_348 = arith.constant 0 : i32
      %dma_wait3A_349 = arith.constant 0 : i32
      %dma_wait3A_350 = tpu.memref_slice %arg5[%dma_wait3A_347, %dma_wait3A_348, %dma_wait3A_349] : memref<4x8x1024xf32, #tpu.memory_space<vmem>> -> memref<1x8x1024xf32, #tpu.memory_space<vmem>>
      %dma_wait3A_351 = tpu.memref_squeeze %dma_wait3A_350 : memref<1x8x1024xf32, #tpu.memory_space<vmem>> -> memref<8x1024xf32, #tpu.memory_space<vmem>>
      %dma_wait3A_352 = arith.constant 0 : i32
      %dma_wait3A_353 = tpu.memref_slice %arg2[%dma_wait3A_346, %add3A_293, %dma_wait3A_352] : memref<4x8192x1024xf32, #tpu.memory_space<hbm>> -> memref<1x8x1024xf32, #tpu.memory_space<hbm>>
      %dma_wait3A_354 = tpu.memref_squeeze %dma_wait3A_353 : memref<1x8x1024xf32, #tpu.memory_space<hbm>> -> memref<8x1024xf32, #tpu.memory_space<hbm>>
      %dma_wait3A_355 = arith.constant 0 : i32
      %dma_wait3A_356 = arith.constant 0 : i32
      %dma_wait3A_357 = tpu.memref_slice %arg5[%dma_wait3A_347, %dma_wait3A_355, %dma_wait3A_356] : memref<4x8x1024xf32, #tpu.memory_space<vmem>> -> memref<1x8x1024xf32, #tpu.memory_space<vmem>>
      %dma_wait3A_358 = tpu.memref_squeeze %dma_wait3A_357 : memref<1x8x1024xf32, #tpu.memory_space<vmem>> -> memref<8x1024xf32, #tpu.memory_space<vmem>>
      %dma_wait3A_359 = arith.constant 0 : i32
      %dma_wait3A_360 = tpu.memref_slice %arg2[%dma_wait3A_346, %add3A_293, %dma_wait3A_359] : memref<4x8192x1024xf32, #tpu.memory_space<hbm>> -> memref<1x8x1024xf32, #tpu.memory_space<hbm>>
      %dma_wait3A_361 = tpu.memref_squeeze %dma_wait3A_360 : memref<1x8x1024xf32, #tpu.memory_space<hbm>> -> memref<8x1024xf32, #tpu.memory_space<hbm>>
      tpu.wait_dma2 semaphore(%arg11 : memref<!tpu.dma_semaphore, #tpu.memory_space<semaphore_mem>>) src(%dma_wait3A_361 : memref<8x1024xf32, #tpu.memory_space<hbm>>) dst(%dma_wait3A_358 : memref<8x1024xf32, #tpu.memory_space<vmem>>)
      %ge3A = arith.constant 1 : i32
      %ge3A_362 = arith.cmpi sge, %add3A_290, %ge3A : i32
      %convert_element_type3A = arith.extui %ge3A_362 : i1 to i32
      %cond3A = arith.constant 0 : i32
      %cond3A_363 = arith.cmpi ne, %convert_element_type3A, %cond3A : i32
      scf.if %cond3A_363 {
        %sub3A = arith.constant 1 : i32
        %sub3A_544 = arith.subi %add3A_290, %sub3A : i32
      } else {
      }
      %add3A_364 = arith.constant 2 : i32
      %add3A_365 = arith.addi %add3A_290, %add3A_364 : i32
      %lt3A = arith.constant 32 : i32
      %lt3A_366 = arith.cmpi slt, %add3A_365, %lt3A : i32
      %convert_element_type3A_367 = arith.extui %lt3A_366 : i1 to i32
      %cond3A_368 = arith.constant 0 : i32
      %cond3A_369 = arith.cmpi ne, %convert_element_type3A_367, %cond3A_368 : i32
      scf.if %cond3A_369 {
        %add3A_544 = arith.constant 2 : i32
        %add3A_545 = arith.addi %add3A_290, %add3A_544 : i32
        %mul3A_546 = arith.constant 8 : i32
        %mul3A_547 = arith.muli %add3A_545, %mul3A_546 : i32
        %add3A_548 = arith.addi %mul3A_2, %mul3A_547 : i32
        %dma_start3A_549 = arith.constant 0 : i32
        %dma_start3A_550 = tpu.memref_slice %arg3[%add3A_548, %dma_start3A_549] : memref<8192x1024xf32, #tpu.memory_space<hbm>> -> memref<8x1024xf32, #tpu.memory_space<hbm>>
        %dma_start3A_551 = arith.constant 0 : i32
        %dma_start3A_552 = tpu.memref_slice %arg3[%add3A_548, %dma_start3A_551] : memref<8192x1024xf32, #tpu.memory_space<hbm>> -> memref<8x1024xf32, #tpu.memory_space<hbm>>
        tpu.enqueue_dma source(%dma_start3A_552 : memref<8x1024xf32, #tpu.memory_space<hbm>>) target(%arg10 : memref<8x1024xf32, #tpu.memory_space<vmem>>) target_semaphore(%arg13 : memref<!tpu.dma_semaphore, #tpu.memory_space<semaphore_mem>>)
        %dma_start3A_553 = arith.constant 0 : i32
        %dma_start3A_554 = arith.constant 0 : i32
        %dma_start3A_555 = arith.constant 0 : i32
        %dma_start3A_556 = arith.constant 0 : i32
        %dma_start3A_557 = tpu.memref_slice %arg7[%dma_start3A_554, %dma_start3A_555, %dma_start3A_556] : memref<4x8x1024xf32, #tpu.memory_space<vmem>> -> memref<1x8x1024xf32, #tpu.memory_space<vmem>>
        %dma_start3A_558 = tpu.memref_squeeze %dma_start3A_557 : memref<1x8x1024xf32, #tpu.memory_space<vmem>> -> memref<8x1024xf32, #tpu.memory_space<vmem>>
        %dma_start3A_559 = arith.constant 0 : i32
        %dma_start3A_560 = tpu.memref_slice %arg2[%dma_start3A_553, %add3A_548, %dma_start3A_559] : memref<4x8192x1024xf32, #tpu.memory_space<hbm>> -> memref<1x8x1024xf32, #tpu.memory_space<hbm>>
        %dma_start3A_561 = tpu.memref_squeeze %dma_start3A_560 : memref<1x8x1024xf32, #tpu.memory_space<hbm>> -> memref<8x1024xf32, #tpu.memory_space<hbm>>
        %dma_start3A_562 = arith.constant 0 : i32
        %dma_start3A_563 = arith.constant 0 : i32
        %dma_start3A_564 = tpu.memref_slice %arg7[%dma_start3A_554, %dma_start3A_562, %dma_start3A_563] : memref<4x8x1024xf32, #tpu.memory_space<vmem>> -> memref<1x8x1024xf32, #tpu.memory_space<vmem>>
        %dma_start3A_565 = tpu.memref_squeeze %dma_start3A_564 : memref<1x8x1024xf32, #tpu.memory_space<vmem>> -> memref<8x1024xf32, #tpu.memory_space<vmem>>
        %dma_start3A_566 = arith.constant 0 : i32
        %dma_start3A_567 = tpu.memref_slice %arg2[%dma_start3A_553, %add3A_548, %dma_start3A_566] : memref<4x8192x1024xf32, #tpu.memory_space<hbm>> -> memref<1x8x1024xf32, #tpu.memory_space<hbm>>
        %dma_start3A_568 = tpu.memref_squeeze %dma_start3A_567 : memref<1x8x1024xf32, #tpu.memory_space<hbm>> -> memref<8x1024xf32, #tpu.memory_space<hbm>>
        tpu.enqueue_dma source(%dma_start3A_568 : memref<8x1024xf32, #tpu.memory_space<hbm>>) target(%dma_start3A_565 : memref<8x1024xf32, #tpu.memory_space<vmem>>) target_semaphore(%arg13 : memref<!tpu.dma_semaphore, #tpu.memory_space<semaphore_mem>>)
        %dma_start3A_569 = arith.constant 1 : i32
        %dma_start3A_570 = arith.constant 1 : i32
        %dma_start3A_571 = arith.constant 0 : i32
        %dma_start3A_572 = arith.constant 0 : i32
        %dma_start3A_573 = tpu.memref_slice %arg7[%dma_start3A_570, %dma_start3A_571, %dma_start3A_572] : memref<4x8x1024xf32, #tpu.memory_space<vmem>> -> memref<1x8x1024xf32, #tpu.memory_space<vmem>>
        %dma_start3A_574 = tpu.memref_squeeze %dma_start3A_573 : memref<1x8x1024xf32, #tpu.memory_space<vmem>> -> memref<8x1024xf32, #tpu.memory_space<vmem>>
        %dma_start3A_575 = arith.constant 0 : i32
        %dma_start3A_576 = tpu.memref_slice %arg2[%dma_start3A_569, %add3A_548, %dma_start3A_575] : memref<4x8192x1024xf32, #tpu.memory_space<hbm>> -> memref<1x8x1024xf32, #tpu.memory_space<hbm>>
        %dma_start3A_577 = tpu.memref_squeeze %dma_start3A_576 : memref<1x8x1024xf32, #tpu.memory_space<hbm>> -> memref<8x1024xf32, #tpu.memory_space<hbm>>
        %dma_start3A_578 = arith.constant 0 : i32
        %dma_start3A_579 = arith.constant 0 : i32
        %dma_start3A_580 = tpu.memref_slice %arg7[%dma_start3A_570, %dma_start3A_578, %dma_start3A_579] : memref<4x8x1024xf32, #tpu.memory_space<vmem>> -> memref<1x8x1024xf32, #tpu.memory_space<vmem>>
        %dma_start3A_581 = tpu.memref_squeeze %dma_start3A_580 : memref<1x8x1024xf32, #tpu.memory_space<vmem>> -> memref<8x1024xf32, #tpu.memory_space<vmem>>
        %dma_start3A_582 = arith.constant 0 : i32
        %dma_start3A_583 = tpu.memref_slice %arg2[%dma_start3A_569, %add3A_548, %dma_start3A_582] : memref<4x8192x1024xf32, #tpu.memory_space<hbm>> -> memref<1x8x1024xf32, #tpu.memory_space<hbm>>
        %dma_start3A_584 = tpu.memref_squeeze %dma_start3A_583 : memref<1x8x1024xf32, #tpu.memory_space<hbm>> -> memref<8x1024xf32, #tpu.memory_space<hbm>>
        tpu.enqueue_dma source(%dma_start3A_584 : memref<8x1024xf32, #tpu.memory_space<hbm>>) target(%dma_start3A_581 : memref<8x1024xf32, #tpu.memory_space<vmem>>) target_semaphore(%arg13 : memref<!tpu.dma_semaphore, #tpu.memory_space<semaphore_mem>>)
        %dma_start3A_585 = arith.constant 2 : i32
        %dma_start3A_586 = arith.constant 2 : i32
        %dma_start3A_587 = arith.constant 0 : i32
        %dma_start3A_588 = arith.constant 0 : i32
        %dma_start3A_589 = tpu.memref_slice %arg7[%dma_start3A_586, %dma_start3A_587, %dma_start3A_588] : memref<4x8x1024xf32, #tpu.memory_space<vmem>> -> memref<1x8x1024xf32, #tpu.memory_space<vmem>>
        %dma_start3A_590 = tpu.memref_squeeze %dma_start3A_589 : memref<1x8x1024xf32, #tpu.memory_space<vmem>> -> memref<8x1024xf32, #tpu.memory_space<vmem>>
        %dma_start3A_591 = arith.constant 0 : i32
        %dma_start3A_592 = tpu.memref_slice %arg2[%dma_start3A_585, %add3A_548, %dma_start3A_591] : memref<4x8192x1024xf32, #tpu.memory_space<hbm>> -> memref<1x8x1024xf32, #tpu.memory_space<hbm>>
        %dma_start3A_593 = tpu.memref_squeeze %dma_start3A_592 : memref<1x8x1024xf32, #tpu.memory_space<hbm>> -> memref<8x1024xf32, #tpu.memory_space<hbm>>
        %dma_start3A_594 = arith.constant 0 : i32
        %dma_start3A_595 = arith.constant 0 : i32
        %dma_start3A_596 = tpu.memref_slice %arg7[%dma_start3A_586, %dma_start3A_594, %dma_start3A_595] : memref<4x8x1024xf32, #tpu.memory_space<vmem>> -> memref<1x8x1024xf32, #tpu.memory_space<vmem>>
        %dma_start3A_597 = tpu.memref_squeeze %dma_start3A_596 : memref<1x8x1024xf32, #tpu.memory_space<vmem>> -> memref<8x1024xf32, #tpu.memory_space<vmem>>
        %dma_start3A_598 = arith.constant 0 : i32
        %dma_start3A_599 = tpu.memref_slice %arg2[%dma_start3A_585, %add3A_548, %dma_start3A_598] : memref<4x8192x1024xf32, #tpu.memory_space<hbm>> -> memref<1x8x1024xf32, #tpu.memory_space<hbm>>
        %dma_start3A_600 = tpu.memref_squeeze %dma_start3A_599 : memref<1x8x1024xf32, #tpu.memory_space<hbm>> -> memref<8x1024xf32, #tpu.memory_space<hbm>>
        tpu.enqueue_dma source(%dma_start3A_600 : memref<8x1024xf32, #tpu.memory_space<hbm>>) target(%dma_start3A_597 : memref<8x1024xf32, #tpu.memory_space<vmem>>) target_semaphore(%arg13 : memref<!tpu.dma_semaphore, #tpu.memory_space<semaphore_mem>>)
        %dma_start3A_601 = arith.constant 3 : i32
        %dma_start3A_602 = arith.constant 3 : i32
        %dma_start3A_603 = arith.constant 0 : i32
        %dma_start3A_604 = arith.constant 0 : i32
        %dma_start3A_605 = tpu.memref_slice %arg7[%dma_start3A_602, %dma_start3A_603, %dma_start3A_604] : memref<4x8x1024xf32, #tpu.memory_space<vmem>> -> memref<1x8x1024xf32, #tpu.memory_space<vmem>>
        %dma_start3A_606 = tpu.memref_squeeze %dma_start3A_605 : memref<1x8x1024xf32, #tpu.memory_space<vmem>> -> memref<8x1024xf32, #tpu.memory_space<vmem>>
        %dma_start3A_607 = arith.constant 0 : i32
        %dma_start3A_608 = tpu.memref_slice %arg2[%dma_start3A_601, %add3A_548, %dma_start3A_607] : memref<4x8192x1024xf32, #tpu.memory_space<hbm>> -> memref<1x8x1024xf32, #tpu.memory_space<hbm>>
        %dma_start3A_609 = tpu.memref_squeeze %dma_start3A_608 : memref<1x8x1024xf32, #tpu.memory_space<hbm>> -> memref<8x1024xf32, #tpu.memory_space<hbm>>
        %dma_start3A_610 = arith.constant 0 : i32
        %dma_start3A_611 = arith.constant 0 : i32
        %dma_start3A_612 = tpu.memref_slice %arg7[%dma_start3A_602, %dma_start3A_610, %dma_start3A_611] : memref<4x8x1024xf32, #tpu.memory_space<vmem>> -> memref<1x8x1024xf32, #tpu.memory_space<vmem>>
        %dma_start3A_613 = tpu.memref_squeeze %dma_start3A_612 : memref<1x8x1024xf32, #tpu.memory_space<vmem>> -> memref<8x1024xf32, #tpu.memory_space<vmem>>
        %dma_start3A_614 = arith.constant 0 : i32
        %dma_start3A_615 = tpu.memref_slice %arg2[%dma_start3A_601, %add3A_548, %dma_start3A_614] : memref<4x8192x1024xf32, #tpu.memory_space<hbm>> -> memref<1x8x1024xf32, #tpu.memory_space<hbm>>
        %dma_start3A_616 = tpu.memref_squeeze %dma_start3A_615 : memref<1x8x1024xf32, #tpu.memory_space<hbm>> -> memref<8x1024xf32, #tpu.memory_space<hbm>>
        tpu.enqueue_dma source(%dma_start3A_616 : memref<8x1024xf32, #tpu.memory_space<hbm>>) target(%dma_start3A_613 : memref<8x1024xf32, #tpu.memory_space<vmem>>) target_semaphore(%arg13 : memref<!tpu.dma_semaphore, #tpu.memory_space<semaphore_mem>>)
      } else {
      }
      %mul3A_370 = arith.constant 3 : i32
      %mul3A_371 = arith.muli %mul3A_370, %scan3A_286 : i32
      %add3A_372 = arith.constant 1 : i32
      %add3A_373 = arith.addi %mul3A_371, %add3A_372 : i32
      %mul3A_374 = arith.constant 8 : i32
      %mul3A_375 = arith.muli %add3A_373, %mul3A_374 : i32
      %add3A_376 = arith.addi %mul3A_2, %mul3A_375 : i32
      %dma_wait3A_377 = arith.constant 0 : i32
      %dma_wait3A_378 = tpu.memref_slice %arg3[%add3A_376, %dma_wait3A_377] : memref<8192x1024xf32, #tpu.memory_space<hbm>> -> memref<8x1024xf32, #tpu.memory_space<hbm>>
      %dma_wait3A_379 = arith.constant 0 : i32
      %dma_wait3A_380 = tpu.memref_slice %arg3[%add3A_376, %dma_wait3A_379] : memref<8192x1024xf32, #tpu.memory_space<hbm>> -> memref<8x1024xf32, #tpu.memory_space<hbm>>
      tpu.wait_dma2 semaphore(%arg12 : memref<!tpu.dma_semaphore, #tpu.memory_space<semaphore_mem>>) src(%dma_wait3A_380 : memref<8x1024xf32, #tpu.memory_space<hbm>>) dst(%arg9 : memref<8x1024xf32, #tpu.memory_space<vmem>>)
      %dma_wait3A_381 = arith.constant 0 : i32
      %dma_wait3A_382 = arith.constant 0 : i32
      %dma_wait3A_383 = arith.constant 0 : i32
      %dma_wait3A_384 = arith.constant 0 : i32
      %dma_wait3A_385 = tpu.memref_slice %arg6[%dma_wait3A_382, %dma_wait3A_383, %dma_wait3A_384] : memref<4x8x1024xf32, #tpu.memory_space<vmem>> -> memref<1x8x1024xf32, #tpu.memory_space<vmem>>
      %dma_wait3A_386 = tpu.memref_squeeze %dma_wait3A_385 : memref<1x8x1024xf32, #tpu.memory_space<vmem>> -> memref<8x1024xf32, #tpu.memory_space<vmem>>
      %dma_wait3A_387 = arith.constant 0 : i32
      %dma_wait3A_388 = tpu.memref_slice %arg2[%dma_wait3A_381, %add3A_376, %dma_wait3A_387] : memref<4x8192x1024xf32, #tpu.memory_space<hbm>> -> memref<1x8x1024xf32, #tpu.memory_space<hbm>>
      %dma_wait3A_389 = tpu.memref_squeeze %dma_wait3A_388 : memref<1x8x1024xf32, #tpu.memory_space<hbm>> -> memref<8x1024xf32, #tpu.memory_space<hbm>>
      %dma_wait3A_390 = arith.constant 0 : i32
      %dma_wait3A_391 = arith.constant 0 : i32
      %dma_wait3A_392 = tpu.memref_slice %arg6[%dma_wait3A_382, %dma_wait3A_390, %dma_wait3A_391] : memref<4x8x1024xf32, #tpu.memory_space<vmem>> -> memref<1x8x1024xf32, #tpu.memory_space<vmem>>
      %dma_wait3A_393 = tpu.memref_squeeze %dma_wait3A_392 : memref<1x8x1024xf32, #tpu.memory_space<vmem>> -> memref<8x1024xf32, #tpu.memory_space<vmem>>
      %dma_wait3A_394 = arith.constant 0 : i32
      %dma_wait3A_395 = tpu.memref_slice %arg2[%dma_wait3A_381, %add3A_376, %dma_wait3A_394] : memref<4x8192x1024xf32, #tpu.memory_space<hbm>> -> memref<1x8x1024xf32, #tpu.memory_space<hbm>>
      %dma_wait3A_396 = tpu.memref_squeeze %dma_wait3A_395 : memref<1x8x1024xf32, #tpu.memory_space<hbm>> -> memref<8x1024xf32, #tpu.memory_space<hbm>>
      tpu.wait_dma2 semaphore(%arg12 : memref<!tpu.dma_semaphore, #tpu.memory_space<semaphore_mem>>) src(%dma_wait3A_396 : memref<8x1024xf32, #tpu.memory_space<hbm>>) dst(%dma_wait3A_393 : memref<8x1024xf32, #tpu.memory_space<vmem>>)
      %dma_wait3A_397 = arith.constant 1 : i32
      %dma_wait3A_398 = arith.constant 1 : i32
      %dma_wait3A_399 = arith.constant 0 : i32
      %dma_wait3A_400 = arith.constant 0 : i32
      %dma_wait3A_401 = tpu.memref_slice %arg6[%dma_wait3A_398, %dma_wait3A_399, %dma_wait3A_400] : memref<4x8x1024xf32, #tpu.memory_space<vmem>> -> memref<1x8x1024xf32, #tpu.memory_space<vmem>>
      %dma_wait3A_402 = tpu.memref_squeeze %dma_wait3A_401 : memref<1x8x1024xf32, #tpu.memory_space<vmem>> -> memref<8x1024xf32, #tpu.memory_space<vmem>>
      %dma_wait3A_403 = arith.constant 0 : i32
      %dma_wait3A_404 = tpu.memref_slice %arg2[%dma_wait3A_397, %add3A_376, %dma_wait3A_403] : memref<4x8192x1024xf32, #tpu.memory_space<hbm>> -> memref<1x8x1024xf32, #tpu.memory_space<hbm>>
      %dma_wait3A_405 = tpu.memref_squeeze %dma_wait3A_404 : memref<1x8x1024xf32, #tpu.memory_space<hbm>> -> memref<8x1024xf32, #tpu.memory_space<hbm>>
      %dma_wait3A_406 = arith.constant 0 : i32
      %dma_wait3A_407 = arith.constant 0 : i32
      %dma_wait3A_408 = tpu.memref_slice %arg6[%dma_wait3A_398, %dma_wait3A_406, %dma_wait3A_407] : memref<4x8x1024xf32, #tpu.memory_space<vmem>> -> memref<1x8x1024xf32, #tpu.memory_space<vmem>>
      %dma_wait3A_409 = tpu.memref_squeeze %dma_wait3A_408 : memref<1x8x1024xf32, #tpu.memory_space<vmem>> -> memref<8x1024xf32, #tpu.memory_space<vmem>>
      %dma_wait3A_410 = arith.constant 0 : i32
      %dma_wait3A_411 = tpu.memref_slice %arg2[%dma_wait3A_397, %add3A_376, %dma_wait3A_410] : memref<4x8192x1024xf32, #tpu.memory_space<hbm>> -> memref<1x8x1024xf32, #tpu.memory_space<hbm>>
      %dma_wait3A_412 = tpu.memref_squeeze %dma_wait3A_411 : memref<1x8x1024xf32, #tpu.memory_space<hbm>> -> memref<8x1024xf32, #tpu.memory_space<hbm>>
      tpu.wait_dma2 semaphore(%arg12 : memref<!tpu.dma_semaphore, #tpu.memory_space<semaphore_mem>>) src(%dma_wait3A_412 : memref<8x1024xf32, #tpu.memory_space<hbm>>) dst(%dma_wait3A_409 : memref<8x1024xf32, #tpu.memory_space<vmem>>)
      %dma_wait3A_413 = arith.constant 2 : i32
      %dma_wait3A_414 = arith.constant 2 : i32
      %dma_wait3A_415 = arith.constant 0 : i32
      %dma_wait3A_416 = arith.constant 0 : i32
      %dma_wait3A_417 = tpu.memref_slice %arg6[%dma_wait3A_414, %dma_wait3A_415, %dma_wait3A_416] : memref<4x8x1024xf32, #tpu.memory_space<vmem>> -> memref<1x8x1024xf32, #tpu.memory_space<vmem>>
      %dma_wait3A_418 = tpu.memref_squeeze %dma_wait3A_417 : memref<1x8x1024xf32, #tpu.memory_space<vmem>> -> memref<8x1024xf32, #tpu.memory_space<vmem>>
      %dma_wait3A_419 = arith.constant 0 : i32
      %dma_wait3A_420 = tpu.memref_slice %arg2[%dma_wait3A_413, %add3A_376, %dma_wait3A_419] : memref<4x8192x1024xf32, #tpu.memory_space<hbm>> -> memref<1x8x1024xf32, #tpu.memory_space<hbm>>
      %dma_wait3A_421 = tpu.memref_squeeze %dma_wait3A_420 : memref<1x8x1024xf32, #tpu.memory_space<hbm>> -> memref<8x1024xf32, #tpu.memory_space<hbm>>
      %dma_wait3A_422 = arith.constant 0 : i32
      %dma_wait3A_423 = arith.constant 0 : i32
      %dma_wait3A_424 = tpu.memref_slice %arg6[%dma_wait3A_414, %dma_wait3A_422, %dma_wait3A_423] : memref<4x8x1024xf32, #tpu.memory_space<vmem>> -> memref<1x8x1024xf32, #tpu.memory_space<vmem>>
      %dma_wait3A_425 = tpu.memref_squeeze %dma_wait3A_424 : memref<1x8x1024xf32, #tpu.memory_space<vmem>> -> memref<8x1024xf32, #tpu.memory_space<vmem>>
      %dma_wait3A_426 = arith.constant 0 : i32
      %dma_wait3A_427 = tpu.memref_slice %arg2[%dma_wait3A_413, %add3A_376, %dma_wait3A_426] : memref<4x8192x1024xf32, #tpu.memory_space<hbm>> -> memref<1x8x1024xf32, #tpu.memory_space<hbm>>
      %dma_wait3A_428 = tpu.memref_squeeze %dma_wait3A_427 : memref<1x8x1024xf32, #tpu.memory_space<hbm>> -> memref<8x1024xf32, #tpu.memory_space<hbm>>
      tpu.wait_dma2 semaphore(%arg12 : memref<!tpu.dma_semaphore, #tpu.memory_space<semaphore_mem>>) src(%dma_wait3A_428 : memref<8x1024xf32, #tpu.memory_space<hbm>>) dst(%dma_wait3A_425 : memref<8x1024xf32, #tpu.memory_space<vmem>>)
      %dma_wait3A_429 = arith.constant 3 : i32
      %dma_wait3A_430 = arith.constant 3 : i32
      %dma_wait3A_431 = arith.constant 0 : i32
      %dma_wait3A_432 = arith.constant 0 : i32
      %dma_wait3A_433 = tpu.memref_slice %arg6[%dma_wait3A_430, %dma_wait3A_431, %dma_wait3A_432] : memref<4x8x1024xf32, #tpu.memory_space<vmem>> -> memref<1x8x1024xf32, #tpu.memory_space<vmem>>
      %dma_wait3A_434 = tpu.memref_squeeze %dma_wait3A_433 : memref<1x8x1024xf32, #tpu.memory_space<vmem>> -> memref<8x1024xf32, #tpu.memory_space<vmem>>
      %dma_wait3A_435 = arith.constant 0 : i32
      %dma_wait3A_436 = tpu.memref_slice %arg2[%dma_wait3A_429, %add3A_376, %dma_wait3A_435] : memref<4x8192x1024xf32, #tpu.memory_space<hbm>> -> memref<1x8x1024xf32, #tpu.memory_space<hbm>>
      %dma_wait3A_437 = tpu.memref_squeeze %dma_wait3A_436 : memref<1x8x1024xf32, #tpu.memory_space<hbm>> -> memref<8x1024xf32, #tpu.memory_space<hbm>>
      %dma_wait3A_438 = arith.constant 0 : i32
      %dma_wait3A_439 = arith.constant 0 : i32
      %dma_wait3A_440 = tpu.memref_slice %arg6[%dma_wait3A_430, %dma_wait3A_438, %dma_wait3A_439] : memref<4x8x1024xf32, #tpu.memory_space<vmem>> -> memref<1x8x1024xf32, #tpu.memory_space<vmem>>
      %dma_wait3A_441 = tpu.memref_squeeze %dma_wait3A_440 : memref<1x8x1024xf32, #tpu.memory_space<vmem>> -> memref<8x1024xf32, #tpu.memory_space<vmem>>
      %dma_wait3A_442 = arith.constant 0 : i32
      %dma_wait3A_443 = tpu.memref_slice %arg2[%dma_wait3A_429, %add3A_376, %dma_wait3A_442] : memref<4x8192x1024xf32, #tpu.memory_space<hbm>> -> memref<1x8x1024xf32, #tpu.memory_space<hbm>>
      %dma_wait3A_444 = tpu.memref_squeeze %dma_wait3A_443 : memref<1x8x1024xf32, #tpu.memory_space<hbm>> -> memref<8x1024xf32, #tpu.memory_space<hbm>>
      tpu.wait_dma2 semaphore(%arg12 : memref<!tpu.dma_semaphore, #tpu.memory_space<semaphore_mem>>) src(%dma_wait3A_444 : memref<8x1024xf32, #tpu.memory_space<hbm>>) dst(%dma_wait3A_441 : memref<8x1024xf32, #tpu.memory_space<vmem>>)
      %ge3A_445 = arith.constant 1 : i32
      %ge3A_446 = arith.cmpi sge, %add3A_373, %ge3A_445 : i32
      %convert_element_type3A_447 = arith.extui %ge3A_446 : i1 to i32
      %cond3A_448 = arith.constant 0 : i32
      %cond3A_449 = arith.cmpi ne, %convert_element_type3A_447, %cond3A_448 : i32
      scf.if %cond3A_449 {
        %sub3A = arith.constant 1 : i32
        %sub3A_544 = arith.subi %add3A_373, %sub3A : i32
      } else {
      }
      %add3A_450 = arith.constant 2 : i32
      %add3A_451 = arith.addi %add3A_373, %add3A_450 : i32
      %lt3A_452 = arith.constant 32 : i32
      %lt3A_453 = arith.cmpi slt, %add3A_451, %lt3A_452 : i32
      %convert_element_type3A_454 = arith.extui %lt3A_453 : i1 to i32
      %cond3A_455 = arith.constant 0 : i32
      %cond3A_456 = arith.cmpi ne, %convert_element_type3A_454, %cond3A_455 : i32
      scf.if %cond3A_456 {
        %add3A_544 = arith.constant 2 : i32
        %add3A_545 = arith.addi %add3A_373, %add3A_544 : i32
        %mul3A_546 = arith.constant 8 : i32
        %mul3A_547 = arith.muli %add3A_545, %mul3A_546 : i32
        %add3A_548 = arith.addi %mul3A_2, %mul3A_547 : i32
        %dma_start3A_549 = arith.constant 0 : i32
        %dma_start3A_550 = tpu.memref_slice %arg3[%add3A_548, %dma_start3A_549] : memref<8192x1024xf32, #tpu.memory_space<hbm>> -> memref<8x1024xf32, #tpu.memory_space<hbm>>
        %dma_start3A_551 = arith.constant 0 : i32
        %dma_start3A_552 = tpu.memref_slice %arg3[%add3A_548, %dma_start3A_551] : memref<8192x1024xf32, #tpu.memory_space<hbm>> -> memref<8x1024xf32, #tpu.memory_space<hbm>>
        tpu.enqueue_dma source(%dma_start3A_552 : memref<8x1024xf32, #tpu.memory_space<hbm>>) target(%arg8 : memref<8x1024xf32, #tpu.memory_space<vmem>>) target_semaphore(%arg11 : memref<!tpu.dma_semaphore, #tpu.memory_space<semaphore_mem>>)
        %dma_start3A_553 = arith.constant 0 : i32
        %dma_start3A_554 = arith.constant 0 : i32
        %dma_start3A_555 = arith.constant 0 : i32
        %dma_start3A_556 = arith.constant 0 : i32
        %dma_start3A_557 = tpu.memref_slice %arg5[%dma_start3A_554, %dma_start3A_555, %dma_start3A_556] : memref<4x8x1024xf32, #tpu.memory_space<vmem>> -> memref<1x8x1024xf32, #tpu.memory_space<vmem>>
        %dma_start3A_558 = tpu.memref_squeeze %dma_start3A_557 : memref<1x8x1024xf32, #tpu.memory_space<vmem>> -> memref<8x1024xf32, #tpu.memory_space<vmem>>
        %dma_start3A_559 = arith.constant 0 : i32
        %dma_start3A_560 = tpu.memref_slice %arg2[%dma_start3A_553, %add3A_548, %dma_start3A_559] : memref<4x8192x1024xf32, #tpu.memory_space<hbm>> -> memref<1x8x1024xf32, #tpu.memory_space<hbm>>
        %dma_start3A_561 = tpu.memref_squeeze %dma_start3A_560 : memref<1x8x1024xf32, #tpu.memory_space<hbm>> -> memref<8x1024xf32, #tpu.memory_space<hbm>>
        %dma_start3A_562 = arith.constant 0 : i32
        %dma_start3A_563 = arith.constant 0 : i32
        %dma_start3A_564 = tpu.memref_slice %arg5[%dma_start3A_554, %dma_start3A_562, %dma_start3A_563] : memref<4x8x1024xf32, #tpu.memory_space<vmem>> -> memref<1x8x1024xf32, #tpu.memory_space<vmem>>
        %dma_start3A_565 = tpu.memref_squeeze %dma_start3A_564 : memref<1x8x1024xf32, #tpu.memory_space<vmem>> -> memref<8x1024xf32, #tpu.memory_space<vmem>>
        %dma_start3A_566 = arith.constant 0 : i32
        %dma_start3A_567 = tpu.memref_slice %arg2[%dma_start3A_553, %add3A_548, %dma_start3A_566] : memref<4x8192x1024xf32, #tpu.memory_space<hbm>> -> memref<1x8x1024xf32, #tpu.memory_space<hbm>>
        %dma_start3A_568 = tpu.memref_squeeze %dma_start3A_567 : memref<1x8x1024xf32, #tpu.memory_space<hbm>> -> memref<8x1024xf32, #tpu.memory_space<hbm>>
        tpu.enqueue_dma source(%dma_start3A_568 : memref<8x1024xf32, #tpu.memory_space<hbm>>) target(%dma_start3A_565 : memref<8x1024xf32, #tpu.memory_space<vmem>>) target_semaphore(%arg11 : memref<!tpu.dma_semaphore, #tpu.memory_space<semaphore_mem>>)
        %dma_start3A_569 = arith.constant 1 : i32
        %dma_start3A_570 = arith.constant 1 : i32
        %dma_start3A_571 = arith.constant 0 : i32
        %dma_start3A_572 = arith.constant 0 : i32
        %dma_start3A_573 = tpu.memref_slice %arg5[%dma_start3A_570, %dma_start3A_571, %dma_start3A_572] : memref<4x8x1024xf32, #tpu.memory_space<vmem>> -> memref<1x8x1024xf32, #tpu.memory_space<vmem>>
        %dma_start3A_574 = tpu.memref_squeeze %dma_start3A_573 : memref<1x8x1024xf32, #tpu.memory_space<vmem>> -> memref<8x1024xf32, #tpu.memory_space<vmem>>
        %dma_start3A_575 = arith.constant 0 : i32
        %dma_start3A_576 = tpu.memref_slice %arg2[%dma_start3A_569, %add3A_548, %dma_start3A_575] : memref<4x8192x1024xf32, #tpu.memory_space<hbm>> -> memref<1x8x1024xf32, #tpu.memory_space<hbm>>
        %dma_start3A_577 = tpu.memref_squeeze %dma_start3A_576 : memref<1x8x1024xf32, #tpu.memory_space<hbm>> -> memref<8x1024xf32, #tpu.memory_space<hbm>>
        %dma_start3A_578 = arith.constant 0 : i32
        %dma_start3A_579 = arith.constant 0 : i32
        %dma_start3A_580 = tpu.memref_slice %arg5[%dma_start3A_570, %dma_start3A_578, %dma_start3A_579] : memref<4x8x1024xf32, #tpu.memory_space<vmem>> -> memref<1x8x1024xf32, #tpu.memory_space<vmem>>
        %dma_start3A_581 = tpu.memref_squeeze %dma_start3A_580 : memref<1x8x1024xf32, #tpu.memory_space<vmem>> -> memref<8x1024xf32, #tpu.memory_space<vmem>>
        %dma_start3A_582 = arith.constant 0 : i32
        %dma_start3A_583 = tpu.memref_slice %arg2[%dma_start3A_569, %add3A_548, %dma_start3A_582] : memref<4x8192x1024xf32, #tpu.memory_space<hbm>> -> memref<1x8x1024xf32, #tpu.memory_space<hbm>>
        %dma_start3A_584 = tpu.memref_squeeze %dma_start3A_583 : memref<1x8x1024xf32, #tpu.memory_space<hbm>> -> memref<8x1024xf32, #tpu.memory_space<hbm>>
        tpu.enqueue_dma source(%dma_start3A_584 : memref<8x1024xf32, #tpu.memory_space<hbm>>) target(%dma_start3A_581 : memref<8x1024xf32, #tpu.memory_space<vmem>>) target_semaphore(%arg11 : memref<!tpu.dma_semaphore, #tpu.memory_space<semaphore_mem>>)
        %dma_start3A_585 = arith.constant 2 : i32
        %dma_start3A_586 = arith.constant 2 : i32
        %dma_start3A_587 = arith.constant 0 : i32
        %dma_start3A_588 = arith.constant 0 : i32
        %dma_start3A_589 = tpu.memref_slice %arg5[%dma_start3A_586, %dma_start3A_587, %dma_start3A_588] : memref<4x8x1024xf32, #tpu.memory_space<vmem>> -> memref<1x8x1024xf32, #tpu.memory_space<vmem>>
        %dma_start3A_590 = tpu.memref_squeeze %dma_start3A_589 : memref<1x8x1024xf32, #tpu.memory_space<vmem>> -> memref<8x1024xf32, #tpu.memory_space<vmem>>
        %dma_start3A_591 = arith.constant 0 : i32
        %dma_start3A_592 = tpu.memref_slice %arg2[%dma_start3A_585, %add3A_548, %dma_start3A_591] : memref<4x8192x1024xf32, #tpu.memory_space<hbm>> -> memref<1x8x1024xf32, #tpu.memory_space<hbm>>
        %dma_start3A_593 = tpu.memref_squeeze %dma_start3A_592 : memref<1x8x1024xf32, #tpu.memory_space<hbm>> -> memref<8x1024xf32, #tpu.memory_space<hbm>>
        %dma_start3A_594 = arith.constant 0 : i32
        %dma_start3A_595 = arith.constant 0 : i32
        %dma_start3A_596 = tpu.memref_slice %arg5[%dma_start3A_586, %dma_start3A_594, %dma_start3A_595] : memref<4x8x1024xf32, #tpu.memory_space<vmem>> -> memref<1x8x1024xf32, #tpu.memory_space<vmem>>
        %dma_start3A_597 = tpu.memref_squeeze %dma_start3A_596 : memref<1x8x1024xf32, #tpu.memory_space<vmem>> -> memref<8x1024xf32, #tpu.memory_space<vmem>>
        %dma_start3A_598 = arith.constant 0 : i32
        %dma_start3A_599 = tpu.memref_slice %arg2[%dma_start3A_585, %add3A_548, %dma_start3A_598] : memref<4x8192x1024xf32, #tpu.memory_space<hbm>> -> memref<1x8x1024xf32, #tpu.memory_space<hbm>>
        %dma_start3A_600 = tpu.memref_squeeze %dma_start3A_599 : memref<1x8x1024xf32, #tpu.memory_space<hbm>> -> memref<8x1024xf32, #tpu.memory_space<hbm>>
        tpu.enqueue_dma source(%dma_start3A_600 : memref<8x1024xf32, #tpu.memory_space<hbm>>) target(%dma_start3A_597 : memref<8x1024xf32, #tpu.memory_space<vmem>>) target_semaphore(%arg11 : memref<!tpu.dma_semaphore, #tpu.memory_space<semaphore_mem>>)
        %dma_start3A_601 = arith.constant 3 : i32
        %dma_start3A_602 = arith.constant 3 : i32
        %dma_start3A_603 = arith.constant 0 : i32
        %dma_start3A_604 = arith.constant 0 : i32
        %dma_start3A_605 = tpu.memref_slice %arg5[%dma_start3A_602, %dma_start3A_603, %dma_start3A_604] : memref<4x8x1024xf32, #tpu.memory_space<vmem>> -> memref<1x8x1024xf32, #tpu.memory_space<vmem>>
        %dma_start3A_606 = tpu.memref_squeeze %dma_start3A_605 : memref<1x8x1024xf32, #tpu.memory_space<vmem>> -> memref<8x1024xf32, #tpu.memory_space<vmem>>
        %dma_start3A_607 = arith.constant 0 : i32
        %dma_start3A_608 = tpu.memref_slice %arg2[%dma_start3A_601, %add3A_548, %dma_start3A_607] : memref<4x8192x1024xf32, #tpu.memory_space<hbm>> -> memref<1x8x1024xf32, #tpu.memory_space<hbm>>
        %dma_start3A_609 = tpu.memref_squeeze %dma_start3A_608 : memref<1x8x1024xf32, #tpu.memory_space<hbm>> -> memref<8x1024xf32, #tpu.memory_space<hbm>>
        %dma_start3A_610 = arith.constant 0 : i32
        %dma_start3A_611 = arith.constant 0 : i32
        %dma_start3A_612 = tpu.memref_slice %arg5[%dma_start3A_602, %dma_start3A_610, %dma_start3A_611] : memref<4x8x1024xf32, #tpu.memory_space<vmem>> -> memref<1x8x1024xf32, #tpu.memory_space<vmem>>
        %dma_start3A_613 = tpu.memref_squeeze %dma_start3A_612 : memref<1x8x1024xf32, #tpu.memory_space<vmem>> -> memref<8x1024xf32, #tpu.memory_space<vmem>>
        %dma_start3A_614 = arith.constant 0 : i32
        %dma_start3A_615 = tpu.memref_slice %arg2[%dma_start3A_601, %add3A_548, %dma_start3A_614] : memref<4x8192x1024xf32, #tpu.memory_space<hbm>> -> memref<1x8x1024xf32, #tpu.memory_space<hbm>>
        %dma_start3A_616 = tpu.memref_squeeze %dma_start3A_615 : memref<1x8x1024xf32, #tpu.memory_space<hbm>> -> memref<8x1024xf32, #tpu.memory_space<hbm>>
        tpu.enqueue_dma source(%dma_start3A_616 : memref<8x1024xf32, #tpu.memory_space<hbm>>) target(%dma_start3A_613 : memref<8x1024xf32, #tpu.memory_space<vmem>>) target_semaphore(%arg11 : memref<!tpu.dma_semaphore, #tpu.memory_space<semaphore_mem>>)
      } else {
      }
      %mul3A_457 = arith.constant 3 : i32
      %mul3A_458 = arith.muli %mul3A_457, %scan3A_286 : i32
      %add3A_459 = arith.constant 2 : i32
      %add3A_460 = arith.addi %mul3A_458, %add3A_459 : i32
      %mul3A_461 = arith.constant 8 : i32
      %mul3A_462 = arith.muli %add3A_460, %mul3A_461 : i32
      %add3A_463 = arith.addi %mul3A_2, %mul3A_462 : i32
      %dma_wait3A_464 = arith.constant 0 : i32
      %dma_wait3A_465 = tpu.memref_slice %arg3[%add3A_463, %dma_wait3A_464] : memref<8192x1024xf32, #tpu.memory_space<hbm>> -> memref<8x1024xf32, #tpu.memory_space<hbm>>
      %dma_wait3A_466 = arith.constant 0 : i32
      %dma_wait3A_467 = tpu.memref_slice %arg3[%add3A_463, %dma_wait3A_466] : memref<8192x1024xf32, #tpu.memory_space<hbm>> -> memref<8x1024xf32, #tpu.memory_space<hbm>>
      tpu.wait_dma2 semaphore(%arg13 : memref<!tpu.dma_semaphore, #tpu.memory_space<semaphore_mem>>) src(%dma_wait3A_467 : memref<8x1024xf32, #tpu.memory_space<hbm>>) dst(%arg10 : memref<8x1024xf32, #tpu.memory_space<vmem>>)
      %dma_wait3A_468 = arith.constant 0 : i32
      %dma_wait3A_469 = arith.constant 0 : i32
      %dma_wait3A_470 = arith.constant 0 : i32
      %dma_wait3A_471 = arith.constant 0 : i32
      %dma_wait3A_472 = tpu.memref_slice %arg7[%dma_wait3A_469, %dma_wait3A_470, %dma_wait3A_471] : memref<4x8x1024xf32, #tpu.memory_space<vmem>> -> memref<1x8x1024xf32, #tpu.memory_space<vmem>>
      %dma_wait3A_473 = tpu.memref_squeeze %dma_wait3A_472 : memref<1x8x1024xf32, #tpu.memory_space<vmem>> -> memref<8x1024xf32, #tpu.memory_space<vmem>>
      %dma_wait3A_474 = arith.constant 0 : i32
      %dma_wait3A_475 = tpu.memref_slice %arg2[%dma_wait3A_468, %add3A_463, %dma_wait3A_474] : memref<4x8192x1024xf32, #tpu.memory_space<hbm>> -> memref<1x8x1024xf32, #tpu.memory_space<hbm>>
      %dma_wait3A_476 = tpu.memref_squeeze %dma_wait3A_475 : memref<1x8x1024xf32, #tpu.memory_space<hbm>> -> memref<8x1024xf32, #tpu.memory_space<hbm>>
      %dma_wait3A_477 = arith.constant 0 : i32
      %dma_wait3A_478 = arith.constant 0 : i32
      %dma_wait3A_479 = tpu.memref_slice %arg7[%dma_wait3A_469, %dma_wait3A_477, %dma_wait3A_478] : memref<4x8x1024xf32, #tpu.memory_space<vmem>> -> memref<1x8x1024xf32, #tpu.memory_space<vmem>>
      %dma_wait3A_480 = tpu.memref_squeeze %dma_wait3A_479 : memref<1x8x1024xf32, #tpu.memory_space<vmem>> -> memref<8x1024xf32, #tpu.memory_space<vmem>>
      %dma_wait3A_481 = arith.constant 0 : i32
      %dma_wait3A_482 = tpu.memref_slice %arg2[%dma_wait3A_468, %add3A_463, %dma_wait3A_481] : memref<4x8192x1024xf32, #tpu.memory_space<hbm>> -> memref<1x8x1024xf32, #tpu.memory_space<hbm>>
      %dma_wait3A_483 = tpu.memref_squeeze %dma_wait3A_482 : memref<1x8x1024xf32, #tpu.memory_space<hbm>> -> memref<8x1024xf32, #tpu.memory_space<hbm>>
      tpu.wait_dma2 semaphore(%arg13 : memref<!tpu.dma_semaphore, #tpu.memory_space<semaphore_mem>>) src(%dma_wait3A_483 : memref<8x1024xf32, #tpu.memory_space<hbm>>) dst(%dma_wait3A_480 : memref<8x1024xf32, #tpu.memory_space<vmem>>)
      %dma_wait3A_484 = arith.constant 1 : i32
      %dma_wait3A_485 = arith.constant 1 : i32
      %dma_wait3A_486 = arith.constant 0 : i32
      %dma_wait3A_487 = arith.constant 0 : i32
      %dma_wait3A_488 = tpu.memref_slice %arg7[%dma_wait3A_485, %dma_wait3A_486, %dma_wait3A_487] : memref<4x8x1024xf32, #tpu.memory_space<vmem>> -> memref<1x8x1024xf32, #tpu.memory_space<vmem>>
      %dma_wait3A_489 = tpu.memref_squeeze %dma_wait3A_488 : memref<1x8x1024xf32, #tpu.memory_space<vmem>> -> memref<8x1024xf32, #tpu.memory_space<vmem>>
      %dma_wait3A_490 = arith.constant 0 : i32
      %dma_wait3A_491 = tpu.memref_slice %arg2[%dma_wait3A_484, %add3A_463, %dma_wait3A_490] : memref<4x8192x1024xf32, #tpu.memory_space<hbm>> -> memref<1x8x1024xf32, #tpu.memory_space<hbm>>
      %dma_wait3A_492 = tpu.memref_squeeze %dma_wait3A_491 : memref<1x8x1024xf32, #tpu.memory_space<hbm>> -> memref<8x1024xf32, #tpu.memory_space<hbm>>
      %dma_wait3A_493 = arith.constant 0 : i32
      %dma_wait3A_494 = arith.constant 0 : i32
      %dma_wait3A_495 = tpu.memref_slice %arg7[%dma_wait3A_485, %dma_wait3A_493, %dma_wait3A_494] : memref<4x8x1024xf32, #tpu.memory_space<vmem>> -> memref<1x8x1024xf32, #tpu.memory_space<vmem>>
      %dma_wait3A_496 = tpu.memref_squeeze %dma_wait3A_495 : memref<1x8x1024xf32, #tpu.memory_space<vmem>> -> memref<8x1024xf32, #tpu.memory_space<vmem>>
      %dma_wait3A_497 = arith.constant 0 : i32
      %dma_wait3A_498 = tpu.memref_slice %arg2[%dma_wait3A_484, %add3A_463, %dma_wait3A_497] : memref<4x8192x1024xf32, #tpu.memory_space<hbm>> -> memref<1x8x1024xf32, #tpu.memory_space<hbm>>
      %dma_wait3A_499 = tpu.memref_squeeze %dma_wait3A_498 : memref<1x8x1024xf32, #tpu.memory_space<hbm>> -> memref<8x1024xf32, #tpu.memory_space<hbm>>
      tpu.wait_dma2 semaphore(%arg13 : memref<!tpu.dma_semaphore, #tpu.memory_space<semaphore_mem>>) src(%dma_wait3A_499 : memref<8x1024xf32, #tpu.memory_space<hbm>>) dst(%dma_wait3A_496 : memref<8x1024xf32, #tpu.memory_space<vmem>>)
      %dma_wait3A_500 = arith.constant 2 : i32
      %dma_wait3A_501 = arith.constant 2 : i32
      %dma_wait3A_502 = arith.constant 0 : i32
      %dma_wait3A_503 = arith.constant 0 : i32
      %dma_wait3A_504 = tpu.memref_slice %arg7[%dma_wait3A_501, %dma_wait3A_502, %dma_wait3A_503] : memref<4x8x1024xf32, #tpu.memory_space<vmem>> -> memref<1x8x1024xf32, #tpu.memory_space<vmem>>
      %dma_wait3A_505 = tpu.memref_squeeze %dma_wait3A_504 : memref<1x8x1024xf32, #tpu.memory_space<vmem>> -> memref<8x1024xf32, #tpu.memory_space<vmem>>
      %dma_wait3A_506 = arith.constant 0 : i32
      %dma_wait3A_507 = tpu.memref_slice %arg2[%dma_wait3A_500, %add3A_463, %dma_wait3A_506] : memref<4x8192x1024xf32, #tpu.memory_space<hbm>> -> memref<1x8x1024xf32, #tpu.memory_space<hbm>>
      %dma_wait3A_508 = tpu.memref_squeeze %dma_wait3A_507 : memref<1x8x1024xf32, #tpu.memory_space<hbm>> -> memref<8x1024xf32, #tpu.memory_space<hbm>>
      %dma_wait3A_509 = arith.constant 0 : i32
      %dma_wait3A_510 = arith.constant 0 : i32
      %dma_wait3A_511 = tpu.memref_slice %arg7[%dma_wait3A_501, %dma_wait3A_509, %dma_wait3A_510] : memref<4x8x1024xf32, #tpu.memory_space<vmem>> -> memref<1x8x1024xf32, #tpu.memory_space<vmem>>
      %dma_wait3A_512 = tpu.memref_squeeze %dma_wait3A_511 : memref<1x8x1024xf32, #tpu.memory_space<vmem>> -> memref<8x1024xf32, #tpu.memory_space<vmem>>
      %dma_wait3A_513 = arith.constant 0 : i32
      %dma_wait3A_514 = tpu.memref_slice %arg2[%dma_wait3A_500, %add3A_463, %dma_wait3A_513] : memref<4x8192x1024xf32, #tpu.memory_space<hbm>> -> memref<1x8x1024xf32, #tpu.memory_space<hbm>>
      %dma_wait3A_515 = tpu.memref_squeeze %dma_wait3A_514 : memref<1x8x1024xf32, #tpu.memory_space<hbm>> -> memref<8x1024xf32, #tpu.memory_space<hbm>>
      tpu.wait_dma2 semaphore(%arg13 : memref<!tpu.dma_semaphore, #tpu.memory_space<semaphore_mem>>) src(%dma_wait3A_515 : memref<8x1024xf32, #tpu.memory_space<hbm>>) dst(%dma_wait3A_512 : memref<8x1024xf32, #tpu.memory_space<vmem>>)
      %dma_wait3A_516 = arith.constant 3 : i32
      %dma_wait3A_517 = arith.constant 3 : i32
      %dma_wait3A_518 = arith.constant 0 : i32
      %dma_wait3A_519 = arith.constant 0 : i32
      %dma_wait3A_520 = tpu.memref_slice %arg7[%dma_wait3A_517, %dma_wait3A_518, %dma_wait3A_519] : memref<4x8x1024xf32, #tpu.memory_space<vmem>> -> memref<1x8x1024xf32, #tpu.memory_space<vmem>>
      %dma_wait3A_521 = tpu.memref_squeeze %dma_wait3A_520 : memref<1x8x1024xf32, #tpu.memory_space<vmem>> -> memref<8x1024xf32, #tpu.memory_space<vmem>>
      %dma_wait3A_522 = arith.constant 0 : i32
      %dma_wait3A_523 = tpu.memref_slice %arg2[%dma_wait3A_516, %add3A_463, %dma_wait3A_522] : memref<4x8192x1024xf32, #tpu.memory_space<hbm>> -> memref<1x8x1024xf32, #tpu.memory_space<hbm>>
      %dma_wait3A_524 = tpu.memref_squeeze %dma_wait3A_523 : memref<1x8x1024xf32, #tpu.memory_space<hbm>> -> memref<8x1024xf32, #tpu.memory_space<hbm>>
      %dma_wait3A_525 = arith.constant 0 : i32
      %dma_wait3A_526 = arith.constant 0 : i32
      %dma_wait3A_527 = tpu.memref_slice %arg7[%dma_wait3A_517, %dma_wait3A_525, %dma_wait3A_526] : memref<4x8x1024xf32, #tpu.memory_space<vmem>> -> memref<1x8x1024xf32, #tpu.memory_space<vmem>>
      %dma_wait3A_528 = tpu.memref_squeeze %dma_wait3A_527 : memref<1x8x1024xf32, #tpu.memory_space<vmem>> -> memref<8x1024xf32, #tpu.memory_space<vmem>>
      %dma_wait3A_529 = arith.constant 0 : i32
      %dma_wait3A_530 = tpu.memref_slice %arg2[%dma_wait3A_516, %add3A_463, %dma_wait3A_529] : memref<4x8192x1024xf32, #tpu.memory_space<hbm>> -> memref<1x8x1024xf32, #tpu.memory_space<hbm>>
      %dma_wait3A_531 = tpu.memref_squeeze %dma_wait3A_530 : memref<1x8x1024xf32, #tpu.memory_space<hbm>> -> memref<8x1024xf32, #tpu.memory_space<hbm>>
      tpu.wait_dma2 semaphore(%arg13 : memref<!tpu.dma_semaphore, #tpu.memory_space<semaphore_mem>>) src(%dma_wait3A_531 : memref<8x1024xf32, #tpu.memory_space<hbm>>) dst(%dma_wait3A_528 : memref<8x1024xf32, #tpu.memory_space<vmem>>)
      %ge3A_532 = arith.constant 1 : i32
      %ge3A_533 = arith.cmpi sge, %add3A_460, %ge3A_532 : i32
      %convert_element_type3A_534 = arith.extui %ge3A_533 : i1 to i32
      %cond3A_535 = arith.constant 0 : i32
      %cond3A_536 = arith.cmpi ne, %convert_element_type3A_534, %cond3A_535 : i32
      scf.if %cond3A_536 {
        %sub3A = arith.constant 1 : i32
        %sub3A_544 = arith.subi %add3A_460, %sub3A : i32
      } else {
      }
      %add3A_537 = arith.constant 2 : i32
      %add3A_538 = arith.addi %add3A_460, %add3A_537 : i32
      %lt3A_539 = arith.constant 32 : i32
      %lt3A_540 = arith.cmpi slt, %add3A_538, %lt3A_539 : i32
      %convert_element_type3A_541 = arith.extui %lt3A_540 : i1 to i32
      %cond3A_542 = arith.constant 0 : i32
      %cond3A_543 = arith.cmpi ne, %convert_element_type3A_541, %cond3A_542 : i32
      scf.if %cond3A_543 {
        %add3A_544 = arith.constant 2 : i32
        %add3A_545 = arith.addi %add3A_460, %add3A_544 : i32
        %mul3A_546 = arith.constant 8 : i32
        %mul3A_547 = arith.muli %add3A_545, %mul3A_546 : i32
        %add3A_548 = arith.addi %mul3A_2, %mul3A_547 : i32
        %dma_start3A_549 = arith.constant 0 : i32
        %dma_start3A_550 = tpu.memref_slice %arg3[%add3A_548, %dma_start3A_549] : memref<8192x1024xf32, #tpu.memory_space<hbm>> -> memref<8x1024xf32, #tpu.memory_space<hbm>>
        %dma_start3A_551 = arith.constant 0 : i32
        %dma_start3A_552 = tpu.memref_slice %arg3[%add3A_548, %dma_start3A_551] : memref<8192x1024xf32, #tpu.memory_space<hbm>> -> memref<8x1024xf32, #tpu.memory_space<hbm>>
        tpu.enqueue_dma source(%dma_start3A_552 : memref<8x1024xf32, #tpu.memory_space<hbm>>) target(%arg9 : memref<8x1024xf32, #tpu.memory_space<vmem>>) target_semaphore(%arg12 : memref<!tpu.dma_semaphore, #tpu.memory_space<semaphore_mem>>)
        %dma_start3A_553 = arith.constant 0 : i32
        %dma_start3A_554 = arith.constant 0 : i32
        %dma_start3A_555 = arith.constant 0 : i32
        %dma_start3A_556 = arith.constant 0 : i32
        %dma_start3A_557 = tpu.memref_slice %arg6[%dma_start3A_554, %dma_start3A_555, %dma_start3A_556] : memref<4x8x1024xf32, #tpu.memory_space<vmem>> -> memref<1x8x1024xf32, #tpu.memory_space<vmem>>
        %dma_start3A_558 = tpu.memref_squeeze %dma_start3A_557 : memref<1x8x1024xf32, #tpu.memory_space<vmem>> -> memref<8x1024xf32, #tpu.memory_space<vmem>>
        %dma_start3A_559 = arith.constant 0 : i32
        %dma_start3A_560 = tpu.memref_slice %arg2[%dma_start3A_553, %add3A_548, %dma_start3A_559] : memref<4x8192x1024xf32, #tpu.memory_space<hbm>> -> memref<1x8x1024xf32, #tpu.memory_space<hbm>>
        %dma_start3A_561 = tpu.memref_squeeze %dma_start3A_560 : memref<1x8x1024xf32, #tpu.memory_space<hbm>> -> memref<8x1024xf32, #tpu.memory_space<hbm>>
        %dma_start3A_562 = arith.constant 0 : i32
        %dma_start3A_563 = arith.constant 0 : i32
        %dma_start3A_564 = tpu.memref_slice %arg6[%dma_start3A_554, %dma_start3A_562, %dma_start3A_563] : memref<4x8x1024xf32, #tpu.memory_space<vmem>> -> memref<1x8x1024xf32, #tpu.memory_space<vmem>>
        %dma_start3A_565 = tpu.memref_squeeze %dma_start3A_564 : memref<1x8x1024xf32, #tpu.memory_space<vmem>> -> memref<8x1024xf32, #tpu.memory_space<vmem>>
        %dma_start3A_566 = arith.constant 0 : i32
        %dma_start3A_567 = tpu.memref_slice %arg2[%dma_start3A_553, %add3A_548, %dma_start3A_566] : memref<4x8192x1024xf32, #tpu.memory_space<hbm>> -> memref<1x8x1024xf32, #tpu.memory_space<hbm>>
        %dma_start3A_568 = tpu.memref_squeeze %dma_start3A_567 : memref<1x8x1024xf32, #tpu.memory_space<hbm>> -> memref<8x1024xf32, #tpu.memory_space<hbm>>
        tpu.enqueue_dma source(%dma_start3A_568 : memref<8x1024xf32, #tpu.memory_space<hbm>>) target(%dma_start3A_565 : memref<8x1024xf32, #tpu.memory_space<vmem>>) target_semaphore(%arg12 : memref<!tpu.dma_semaphore, #tpu.memory_space<semaphore_mem>>)
        %dma_start3A_569 = arith.constant 1 : i32
        %dma_start3A_570 = arith.constant 1 : i32
        %dma_start3A_571 = arith.constant 0 : i32
        %dma_start3A_572 = arith.constant 0 : i32
        %dma_start3A_573 = tpu.memref_slice %arg6[%dma_start3A_570, %dma_start3A_571, %dma_start3A_572] : memref<4x8x1024xf32, #tpu.memory_space<vmem>> -> memref<1x8x1024xf32, #tpu.memory_space<vmem>>
        %dma_start3A_574 = tpu.memref_squeeze %dma_start3A_573 : memref<1x8x1024xf32, #tpu.memory_space<vmem>> -> memref<8x1024xf32, #tpu.memory_space<vmem>>
        %dma_start3A_575 = arith.constant 0 : i32
        %dma_start3A_576 = tpu.memref_slice %arg2[%dma_start3A_569, %add3A_548, %dma_start3A_575] : memref<4x8192x1024xf32, #tpu.memory_space<hbm>> -> memref<1x8x1024xf32, #tpu.memory_space<hbm>>
        %dma_start3A_577 = tpu.memref_squeeze %dma_start3A_576 : memref<1x8x1024xf32, #tpu.memory_space<hbm>> -> memref<8x1024xf32, #tpu.memory_space<hbm>>
        %dma_start3A_578 = arith.constant 0 : i32
        %dma_start3A_579 = arith.constant 0 : i32
        %dma_start3A_580 = tpu.memref_slice %arg6[%dma_start3A_570, %dma_start3A_578, %dma_start3A_579] : memref<4x8x1024xf32, #tpu.memory_space<vmem>> -> memref<1x8x1024xf32, #tpu.memory_space<vmem>>
        %dma_start3A_581 = tpu.memref_squeeze %dma_start3A_580 : memref<1x8x1024xf32, #tpu.memory_space<vmem>> -> memref<8x1024xf32, #tpu.memory_space<vmem>>
        %dma_start3A_582 = arith.constant 0 : i32
        %dma_start3A_583 = tpu.memref_slice %arg2[%dma_start3A_569, %add3A_548, %dma_start3A_582] : memref<4x8192x1024xf32, #tpu.memory_space<hbm>> -> memref<1x8x1024xf32, #tpu.memory_space<hbm>>
        %dma_start3A_584 = tpu.memref_squeeze %dma_start3A_583 : memref<1x8x1024xf32, #tpu.memory_space<hbm>> -> memref<8x1024xf32, #tpu.memory_space<hbm>>
        tpu.enqueue_dma source(%dma_start3A_584 : memref<8x1024xf32, #tpu.memory_space<hbm>>) target(%dma_start3A_581 : memref<8x1024xf32, #tpu.memory_space<vmem>>) target_semaphore(%arg12 : memref<!tpu.dma_semaphore, #tpu.memory_space<semaphore_mem>>)
        %dma_start3A_585 = arith.constant 2 : i32
        %dma_start3A_586 = arith.constant 2 : i32
        %dma_start3A_587 = arith.constant 0 : i32
        %dma_start3A_588 = arith.constant 0 : i32
        %dma_start3A_589 = tpu.memref_slice %arg6[%dma_start3A_586, %dma_start3A_587, %dma_start3A_588] : memref<4x8x1024xf32, #tpu.memory_space<vmem>> -> memref<1x8x1024xf32, #tpu.memory_space<vmem>>
        %dma_start3A_590 = tpu.memref_squeeze %dma_start3A_589 : memref<1x8x1024xf32, #tpu.memory_space<vmem>> -> memref<8x1024xf32, #tpu.memory_space<vmem>>
        %dma_start3A_591 = arith.constant 0 : i32
        %dma_start3A_592 = tpu.memref_slice %arg2[%dma_start3A_585, %add3A_548, %dma_start3A_591] : memref<4x8192x1024xf32, #tpu.memory_space<hbm>> -> memref<1x8x1024xf32, #tpu.memory_space<hbm>>
        %dma_start3A_593 = tpu.memref_squeeze %dma_start3A_592 : memref<1x8x1024xf32, #tpu.memory_space<hbm>> -> memref<8x1024xf32, #tpu.memory_space<hbm>>
        %dma_start3A_594 = arith.constant 0 : i32
        %dma_start3A_595 = arith.constant 0 : i32
        %dma_start3A_596 = tpu.memref_slice %arg6[%dma_start3A_586, %dma_start3A_594, %dma_start3A_595] : memref<4x8x1024xf32, #tpu.memory_space<vmem>> -> memref<1x8x1024xf32, #tpu.memory_space<vmem>>
        %dma_start3A_597 = tpu.memref_squeeze %dma_start3A_596 : memref<1x8x1024xf32, #tpu.memory_space<vmem>> -> memref<8x1024xf32, #tpu.memory_space<vmem>>
        %dma_start3A_598 = arith.constant 0 : i32
        %dma_start3A_599 = tpu.memref_slice %arg2[%dma_start3A_585, %add3A_548, %dma_start3A_598] : memref<4x8192x1024xf32, #tpu.memory_space<hbm>> -> memref<1x8x1024xf32, #tpu.memory_space<hbm>>
        %dma_start3A_600 = tpu.memref_squeeze %dma_start3A_599 : memref<1x8x1024xf32, #tpu.memory_space<hbm>> -> memref<8x1024xf32, #tpu.memory_space<hbm>>
        tpu.enqueue_dma source(%dma_start3A_600 : memref<8x1024xf32, #tpu.memory_space<hbm>>) target(%dma_start3A_597 : memref<8x1024xf32, #tpu.memory_space<vmem>>) target_semaphore(%arg12 : memref<!tpu.dma_semaphore, #tpu.memory_space<semaphore_mem>>)
        %dma_start3A_601 = arith.constant 3 : i32
        %dma_start3A_602 = arith.constant 3 : i32
        %dma_start3A_603 = arith.constant 0 : i32
        %dma_start3A_604 = arith.constant 0 : i32
        %dma_start3A_605 = tpu.memref_slice %arg6[%dma_start3A_602, %dma_start3A_603, %dma_start3A_604] : memref<4x8x1024xf32, #tpu.memory_space<vmem>> -> memref<1x8x1024xf32, #tpu.memory_space<vmem>>
        %dma_start3A_606 = tpu.memref_squeeze %dma_start3A_605 : memref<1x8x1024xf32, #tpu.memory_space<vmem>> -> memref<8x1024xf32, #tpu.memory_space<vmem>>
        %dma_start3A_607 = arith.constant 0 : i32
        %dma_start3A_608 = tpu.memref_slice %arg2[%dma_start3A_601, %add3A_548, %dma_start3A_607] : memref<4x8192x1024xf32, #tpu.memory_space<hbm>> -> memref<1x8x1024xf32, #tpu.memory_space<hbm>>
        %dma_start3A_609 = tpu.memref_squeeze %dma_start3A_608 : memref<1x8x1024xf32, #tpu.memory_space<hbm>> -> memref<8x1024xf32, #tpu.memory_space<hbm>>
        %dma_start3A_610 = arith.constant 0 : i32
        %dma_start3A_611 = arith.constant 0 : i32
        %dma_start3A_612 = tpu.memref_slice %arg6[%dma_start3A_602, %dma_start3A_610, %dma_start3A_611] : memref<4x8x1024xf32, #tpu.memory_space<vmem>> -> memref<1x8x1024xf32, #tpu.memory_space<vmem>>
        %dma_start3A_613 = tpu.memref_squeeze %dma_start3A_612 : memref<1x8x1024xf32, #tpu.memory_space<vmem>> -> memref<8x1024xf32, #tpu.memory_space<vmem>>
        %dma_start3A_614 = arith.constant 0 : i32
        %dma_start3A_615 = tpu.memref_slice %arg2[%dma_start3A_601, %add3A_548, %dma_start3A_614] : memref<4x8192x1024xf32, #tpu.memory_space<hbm>> -> memref<1x8x1024xf32, #tpu.memory_space<hbm>>
        %dma_start3A_616 = tpu.memref_squeeze %dma_start3A_615 : memref<1x8x1024xf32, #tpu.memory_space<hbm>> -> memref<8x1024xf32, #tpu.memory_space<hbm>>
        tpu.enqueue_dma source(%dma_start3A_616 : memref<8x1024xf32, #tpu.memory_space<hbm>>) target(%dma_start3A_613 : memref<8x1024xf32, #tpu.memory_space<vmem>>) target_semaphore(%arg12 : memref<!tpu.dma_semaphore, #tpu.memory_space<semaphore_mem>>)
      } else {
      }
    }
    %scan3A_146 = arith.constant 10 : i32
    %add3A_147 = arith.constant 240 : i32
    %add3A_148 = arith.addi %mul3A_2, %add3A_147 : i32
    %dma_wait3A = arith.constant 0 : i32
    %dma_wait3A_149 = tpu.memref_slice %arg3[%add3A_148, %dma_wait3A] : memref<8192x1024xf32, #tpu.memory_space<hbm>> -> memref<8x1024xf32, #tpu.memory_space<hbm>>
    %dma_wait3A_150 = arith.constant 0 : i32
    %dma_wait3A_151 = tpu.memref_slice %arg3[%add3A_148, %dma_wait3A_150] : memref<8192x1024xf32, #tpu.memory_space<hbm>> -> memref<8x1024xf32, #tpu.memory_space<hbm>>
    tpu.wait_dma2 semaphore(%arg11 : memref<!tpu.dma_semaphore, #tpu.memory_space<semaphore_mem>>) src(%dma_wait3A_151 : memref<8x1024xf32, #tpu.memory_space<hbm>>) dst(%arg8 : memref<8x1024xf32, #tpu.memory_space<vmem>>)
    %dma_wait3A_152 = arith.constant 0 : i32
    %dma_wait3A_153 = arith.constant 0 : i32
    %dma_wait3A_154 = arith.constant 0 : i32
    %dma_wait3A_155 = arith.constant 0 : i32
    %dma_wait3A_156 = tpu.memref_slice %arg5[%dma_wait3A_153, %dma_wait3A_154, %dma_wait3A_155] : memref<4x8x1024xf32, #tpu.memory_space<vmem>> -> memref<1x8x1024xf32, #tpu.memory_space<vmem>>
    %dma_wait3A_157 = tpu.memref_squeeze %dma_wait3A_156 : memref<1x8x1024xf32, #tpu.memory_space<vmem>> -> memref<8x1024xf32, #tpu.memory_space<vmem>>
    %dma_wait3A_158 = arith.constant 0 : i32
    %dma_wait3A_159 = tpu.memref_slice %arg2[%dma_wait3A_152, %add3A_148, %dma_wait3A_158] : memref<4x8192x1024xf32, #tpu.memory_space<hbm>> -> memref<1x8x1024xf32, #tpu.memory_space<hbm>>
    %dma_wait3A_160 = tpu.memref_squeeze %dma_wait3A_159 : memref<1x8x1024xf32, #tpu.memory_space<hbm>> -> memref<8x1024xf32, #tpu.memory_space<hbm>>
    %dma_wait3A_161 = arith.constant 0 : i32
    %dma_wait3A_162 = arith.constant 0 : i32
    %dma_wait3A_163 = tpu.memref_slice %arg5[%dma_wait3A_153, %dma_wait3A_161, %dma_wait3A_162] : memref<4x8x1024xf32, #tpu.memory_space<vmem>> -> memref<1x8x1024xf32, #tpu.memory_space<vmem>>
    %dma_wait3A_164 = tpu.memref_squeeze %dma_wait3A_163 : memref<1x8x1024xf32, #tpu.memory_space<vmem>> -> memref<8x1024xf32, #tpu.memory_space<vmem>>
    %dma_wait3A_165 = arith.constant 0 : i32
    %dma_wait3A_166 = tpu.memref_slice %arg2[%dma_wait3A_152, %add3A_148, %dma_wait3A_165] : memref<4x8192x1024xf32, #tpu.memory_space<hbm>> -> memref<1x8x1024xf32, #tpu.memory_space<hbm>>
    %dma_wait3A_167 = tpu.memref_squeeze %dma_wait3A_166 : memref<1x8x1024xf32, #tpu.memory_space<hbm>> -> memref<8x1024xf32, #tpu.memory_space<hbm>>
    tpu.wait_dma2 semaphore(%arg11 : memref<!tpu.dma_semaphore, #tpu.memory_space<semaphore_mem>>) src(%dma_wait3A_167 : memref<8x1024xf32, #tpu.memory_space<hbm>>) dst(%dma_wait3A_164 : memref<8x1024xf32, #tpu.memory_space<vmem>>)
    %dma_wait3A_168 = arith.constant 1 : i32
    %dma_wait3A_169 = arith.constant 1 : i32
    %dma_wait3A_170 = arith.constant 0 : i32
    %dma_wait3A_171 = arith.constant 0 : i32
    %dma_wait3A_172 = tpu.memref_slice %arg5[%dma_wait3A_169, %dma_wait3A_170, %dma_wait3A_171] : memref<4x8x1024xf32, #tpu.memory_space<vmem>> -> memref<1x8x1024xf32, #tpu.memory_space<vmem>>
    %dma_wait3A_173 = tpu.memref_squeeze %dma_wait3A_172 : memref<1x8x1024xf32, #tpu.memory_space<vmem>> -> memref<8x1024xf32, #tpu.memory_space<vmem>>
    %dma_wait3A_174 = arith.constant 0 : i32
    %dma_wait3A_175 = tpu.memref_slice %arg2[%dma_wait3A_168, %add3A_148, %dma_wait3A_174] : memref<4x8192x1024xf32, #tpu.memory_space<hbm>> -> memref<1x8x1024xf32, #tpu.memory_space<hbm>>
    %dma_wait3A_176 = tpu.memref_squeeze %dma_wait3A_175 : memref<1x8x1024xf32, #tpu.memory_space<hbm>> -> memref<8x1024xf32, #tpu.memory_space<hbm>>
    %dma_wait3A_177 = arith.constant 0 : i32
    %dma_wait3A_178 = arith.constant 0 : i32
    %dma_wait3A_179 = tpu.memref_slice %arg5[%dma_wait3A_169, %dma_wait3A_177, %dma_wait3A_178] : memref<4x8x1024xf32, #tpu.memory_space<vmem>> -> memref<1x8x1024xf32, #tpu.memory_space<vmem>>
    %dma_wait3A_180 = tpu.memref_squeeze %dma_wait3A_179 : memref<1x8x1024xf32, #tpu.memory_space<vmem>> -> memref<8x1024xf32, #tpu.memory_space<vmem>>
    %dma_wait3A_181 = arith.constant 0 : i32
    %dma_wait3A_182 = tpu.memref_slice %arg2[%dma_wait3A_168, %add3A_148, %dma_wait3A_181] : memref<4x8192x1024xf32, #tpu.memory_space<hbm>> -> memref<1x8x1024xf32, #tpu.memory_space<hbm>>
    %dma_wait3A_183 = tpu.memref_squeeze %dma_wait3A_182 : memref<1x8x1024xf32, #tpu.memory_space<hbm>> -> memref<8x1024xf32, #tpu.memory_space<hbm>>
    tpu.wait_dma2 semaphore(%arg11 : memref<!tpu.dma_semaphore, #tpu.memory_space<semaphore_mem>>) src(%dma_wait3A_183 : memref<8x1024xf32, #tpu.memory_space<hbm>>) dst(%dma_wait3A_180 : memref<8x1024xf32, #tpu.memory_space<vmem>>)
    %dma_wait3A_184 = arith.constant 2 : i32
    %dma_wait3A_185 = arith.constant 2 : i32
    %dma_wait3A_186 = arith.constant 0 : i32
    %dma_wait3A_187 = arith.constant 0 : i32
    %dma_wait3A_188 = tpu.memref_slice %arg5[%dma_wait3A_185, %dma_wait3A_186, %dma_wait3A_187] : memref<4x8x1024xf32, #tpu.memory_space<vmem>> -> memref<1x8x1024xf32, #tpu.memory_space<vmem>>
    %dma_wait3A_189 = tpu.memref_squeeze %dma_wait3A_188 : memref<1x8x1024xf32, #tpu.memory_space<vmem>> -> memref<8x1024xf32, #tpu.memory_space<vmem>>
    %dma_wait3A_190 = arith.constant 0 : i32
    %dma_wait3A_191 = tpu.memref_slice %arg2[%dma_wait3A_184, %add3A_148, %dma_wait3A_190] : memref<4x8192x1024xf32, #tpu.memory_space<hbm>> -> memref<1x8x1024xf32, #tpu.memory_space<hbm>>
    %dma_wait3A_192 = tpu.memref_squeeze %dma_wait3A_191 : memref<1x8x1024xf32, #tpu.memory_space<hbm>> -> memref<8x1024xf32, #tpu.memory_space<hbm>>
    %dma_wait3A_193 = arith.constant 0 : i32
    %dma_wait3A_194 = arith.constant 0 : i32
    %dma_wait3A_195 = tpu.memref_slice %arg5[%dma_wait3A_185, %dma_wait3A_193, %dma_wait3A_194] : memref<4x8x1024xf32, #tpu.memory_space<vmem>> -> memref<1x8x1024xf32, #tpu.memory_space<vmem>>
    %dma_wait3A_196 = tpu.memref_squeeze %dma_wait3A_195 : memref<1x8x1024xf32, #tpu.memory_space<vmem>> -> memref<8x1024xf32, #tpu.memory_space<vmem>>
    %dma_wait3A_197 = arith.constant 0 : i32
    %dma_wait3A_198 = tpu.memref_slice %arg2[%dma_wait3A_184, %add3A_148, %dma_wait3A_197] : memref<4x8192x1024xf32, #tpu.memory_space<hbm>> -> memref<1x8x1024xf32, #tpu.memory_space<hbm>>
    %dma_wait3A_199 = tpu.memref_squeeze %dma_wait3A_198 : memref<1x8x1024xf32, #tpu.memory_space<hbm>> -> memref<8x1024xf32, #tpu.memory_space<hbm>>
    tpu.wait_dma2 semaphore(%arg11 : memref<!tpu.dma_semaphore, #tpu.memory_space<semaphore_mem>>) src(%dma_wait3A_199 : memref<8x1024xf32, #tpu.memory_space<hbm>>) dst(%dma_wait3A_196 : memref<8x1024xf32, #tpu.memory_space<vmem>>)
    %dma_wait3A_200 = arith.constant 3 : i32
    %dma_wait3A_201 = arith.constant 3 : i32
    %dma_wait3A_202 = arith.constant 0 : i32
    %dma_wait3A_203 = arith.constant 0 : i32
    %dma_wait3A_204 = tpu.memref_slice %arg5[%dma_wait3A_201, %dma_wait3A_202, %dma_wait3A_203] : memref<4x8x1024xf32, #tpu.memory_space<vmem>> -> memref<1x8x1024xf32, #tpu.memory_space<vmem>>
    %dma_wait3A_205 = tpu.memref_squeeze %dma_wait3A_204 : memref<1x8x1024xf32, #tpu.memory_space<vmem>> -> memref<8x1024xf32, #tpu.memory_space<vmem>>
    %dma_wait3A_206 = arith.constant 0 : i32
    %dma_wait3A_207 = tpu.memref_slice %arg2[%dma_wait3A_200, %add3A_148, %dma_wait3A_206] : memref<4x8192x1024xf32, #tpu.memory_space<hbm>> -> memref<1x8x1024xf32, #tpu.memory_space<hbm>>
    %dma_wait3A_208 = tpu.memref_squeeze %dma_wait3A_207 : memref<1x8x1024xf32, #tpu.memory_space<hbm>> -> memref<8x1024xf32, #tpu.memory_space<hbm>>
    %dma_wait3A_209 = arith.constant 0 : i32
    %dma_wait3A_210 = arith.constant 0 : i32
    %dma_wait3A_211 = tpu.memref_slice %arg5[%dma_wait3A_201, %dma_wait3A_209, %dma_wait3A_210] : memref<4x8x1024xf32, #tpu.memory_space<vmem>> -> memref<1x8x1024xf32, #tpu.memory_space<vmem>>
    %dma_wait3A_212 = tpu.memref_squeeze %dma_wait3A_211 : memref<1x8x1024xf32, #tpu.memory_space<vmem>> -> memref<8x1024xf32, #tpu.memory_space<vmem>>
    %dma_wait3A_213 = arith.constant 0 : i32
    %dma_wait3A_214 = tpu.memref_slice %arg2[%dma_wait3A_200, %add3A_148, %dma_wait3A_213] : memref<4x8192x1024xf32, #tpu.memory_space<hbm>> -> memref<1x8x1024xf32, #tpu.memory_space<hbm>>
    %dma_wait3A_215 = tpu.memref_squeeze %dma_wait3A_214 : memref<1x8x1024xf32, #tpu.memory_space<hbm>> -> memref<8x1024xf32, #tpu.memory_space<hbm>>
    tpu.wait_dma2 semaphore(%arg11 : memref<!tpu.dma_semaphore, #tpu.memory_space<semaphore_mem>>) src(%dma_wait3A_215 : memref<8x1024xf32, #tpu.memory_space<hbm>>) dst(%dma_wait3A_212 : memref<8x1024xf32, #tpu.memory_space<vmem>>)
    %add3A_216 = arith.constant 248 : i32
    %add3A_217 = arith.addi %mul3A_2, %add3A_216 : i32
    %dma_wait3A_218 = arith.constant 0 : i32
    %dma_wait3A_219 = tpu.memref_slice %arg3[%add3A_217, %dma_wait3A_218] : memref<8192x1024xf32, #tpu.memory_space<hbm>> -> memref<8x1024xf32, #tpu.memory_space<hbm>>
    %dma_wait3A_220 = arith.constant 0 : i32
    %dma_wait3A_221 = tpu.memref_slice %arg3[%add3A_217, %dma_wait3A_220] : memref<8192x1024xf32, #tpu.memory_space<hbm>> -> memref<8x1024xf32, #tpu.memory_space<hbm>>
    tpu.wait_dma2 semaphore(%arg12 : memref<!tpu.dma_semaphore, #tpu.memory_space<semaphore_mem>>) src(%dma_wait3A_221 : memref<8x1024xf32, #tpu.memory_space<hbm>>) dst(%arg9 : memref<8x1024xf32, #tpu.memory_space<vmem>>)
    %dma_wait3A_222 = arith.constant 0 : i32
    %dma_wait3A_223 = arith.constant 0 : i32
    %dma_wait3A_224 = arith.constant 0 : i32
    %dma_wait3A_225 = arith.constant 0 : i32
    %dma_wait3A_226 = tpu.memref_slice %arg6[%dma_wait3A_223, %dma_wait3A_224, %dma_wait3A_225] : memref<4x8x1024xf32, #tpu.memory_space<vmem>> -> memref<1x8x1024xf32, #tpu.memory_space<vmem>>
    %dma_wait3A_227 = tpu.memref_squeeze %dma_wait3A_226 : memref<1x8x1024xf32, #tpu.memory_space<vmem>> -> memref<8x1024xf32, #tpu.memory_space<vmem>>
    %dma_wait3A_228 = arith.constant 0 : i32
    %dma_wait3A_229 = tpu.memref_slice %arg2[%dma_wait3A_222, %add3A_217, %dma_wait3A_228] : memref<4x8192x1024xf32, #tpu.memory_space<hbm>> -> memref<1x8x1024xf32, #tpu.memory_space<hbm>>
    %dma_wait3A_230 = tpu.memref_squeeze %dma_wait3A_229 : memref<1x8x1024xf32, #tpu.memory_space<hbm>> -> memref<8x1024xf32, #tpu.memory_space<hbm>>
    %dma_wait3A_231 = arith.constant 0 : i32
    %dma_wait3A_232 = arith.constant 0 : i32
    %dma_wait3A_233 = tpu.memref_slice %arg6[%dma_wait3A_223, %dma_wait3A_231, %dma_wait3A_232] : memref<4x8x1024xf32, #tpu.memory_space<vmem>> -> memref<1x8x1024xf32, #tpu.memory_space<vmem>>
    %dma_wait3A_234 = tpu.memref_squeeze %dma_wait3A_233 : memref<1x8x1024xf32, #tpu.memory_space<vmem>> -> memref<8x1024xf32, #tpu.memory_space<vmem>>
    %dma_wait3A_235 = arith.constant 0 : i32
    %dma_wait3A_236 = tpu.memref_slice %arg2[%dma_wait3A_222, %add3A_217, %dma_wait3A_235] : memref<4x8192x1024xf32, #tpu.memory_space<hbm>> -> memref<1x8x1024xf32, #tpu.memory_space<hbm>>
    %dma_wait3A_237 = tpu.memref_squeeze %dma_wait3A_236 : memref<1x8x1024xf32, #tpu.memory_space<hbm>> -> memref<8x1024xf32, #tpu.memory_space<hbm>>
    tpu.wait_dma2 semaphore(%arg12 : memref<!tpu.dma_semaphore, #tpu.memory_space<semaphore_mem>>) src(%dma_wait3A_237 : memref<8x1024xf32, #tpu.memory_space<hbm>>) dst(%dma_wait3A_234 : memref<8x1024xf32, #tpu.memory_space<vmem>>)
    %dma_wait3A_238 = arith.constant 1 : i32
    %dma_wait3A_239 = arith.constant 1 : i32
    %dma_wait3A_240 = arith.constant 0 : i32
    %dma_wait3A_241 = arith.constant 0 : i32
    %dma_wait3A_242 = tpu.memref_slice %arg6[%dma_wait3A_239, %dma_wait3A_240, %dma_wait3A_241] : memref<4x8x1024xf32, #tpu.memory_space<vmem>> -> memref<1x8x1024xf32, #tpu.memory_space<vmem>>
    %dma_wait3A_243 = tpu.memref_squeeze %dma_wait3A_242 : memref<1x8x1024xf32, #tpu.memory_space<vmem>> -> memref<8x1024xf32, #tpu.memory_space<vmem>>
    %dma_wait3A_244 = arith.constant 0 : i32
    %dma_wait3A_245 = tpu.memref_slice %arg2[%dma_wait3A_238, %add3A_217, %dma_wait3A_244] : memref<4x8192x1024xf32, #tpu.memory_space<hbm>> -> memref<1x8x1024xf32, #tpu.memory_space<hbm>>
    %dma_wait3A_246 = tpu.memref_squeeze %dma_wait3A_245 : memref<1x8x1024xf32, #tpu.memory_space<hbm>> -> memref<8x1024xf32, #tpu.memory_space<hbm>>
    %dma_wait3A_247 = arith.constant 0 : i32
    %dma_wait3A_248 = arith.constant 0 : i32
    %dma_wait3A_249 = tpu.memref_slice %arg6[%dma_wait3A_239, %dma_wait3A_247, %dma_wait3A_248] : memref<4x8x1024xf32, #tpu.memory_space<vmem>> -> memref<1x8x1024xf32, #tpu.memory_space<vmem>>
    %dma_wait3A_250 = tpu.memref_squeeze %dma_wait3A_249 : memref<1x8x1024xf32, #tpu.memory_space<vmem>> -> memref<8x1024xf32, #tpu.memory_space<vmem>>
    %dma_wait3A_251 = arith.constant 0 : i32
    %dma_wait3A_252 = tpu.memref_slice %arg2[%dma_wait3A_238, %add3A_217, %dma_wait3A_251] : memref<4x8192x1024xf32, #tpu.memory_space<hbm>> -> memref<1x8x1024xf32, #tpu.memory_space<hbm>>
    %dma_wait3A_253 = tpu.memref_squeeze %dma_wait3A_252 : memref<1x8x1024xf32, #tpu.memory_space<hbm>> -> memref<8x1024xf32, #tpu.memory_space<hbm>>
    tpu.wait_dma2 semaphore(%arg12 : memref<!tpu.dma_semaphore, #tpu.memory_space<semaphore_mem>>) src(%dma_wait3A_253 : memref<8x1024xf32, #tpu.memory_space<hbm>>) dst(%dma_wait3A_250 : memref<8x1024xf32, #tpu.memory_space<vmem>>)
    %dma_wait3A_254 = arith.constant 2 : i32
    %dma_wait3A_255 = arith.constant 2 : i32
    %dma_wait3A_256 = arith.constant 0 : i32
    %dma_wait3A_257 = arith.constant 0 : i32
    %dma_wait3A_258 = tpu.memref_slice %arg6[%dma_wait3A_255, %dma_wait3A_256, %dma_wait3A_257] : memref<4x8x1024xf32, #tpu.memory_space<vmem>> -> memref<1x8x1024xf32, #tpu.memory_space<vmem>>
    %dma_wait3A_259 = tpu.memref_squeeze %dma_wait3A_258 : memref<1x8x1024xf32, #tpu.memory_space<vmem>> -> memref<8x1024xf32, #tpu.memory_space<vmem>>
    %dma_wait3A_260 = arith.constant 0 : i32
    %dma_wait3A_261 = tpu.memref_slice %arg2[%dma_wait3A_254, %add3A_217, %dma_wait3A_260] : memref<4x8192x1024xf32, #tpu.memory_space<hbm>> -> memref<1x8x1024xf32, #tpu.memory_space<hbm>>
    %dma_wait3A_262 = tpu.memref_squeeze %dma_wait3A_261 : memref<1x8x1024xf32, #tpu.memory_space<hbm>> -> memref<8x1024xf32, #tpu.memory_space<hbm>>
    %dma_wait3A_263 = arith.constant 0 : i32
    %dma_wait3A_264 = arith.constant 0 : i32
    %dma_wait3A_265 = tpu.memref_slice %arg6[%dma_wait3A_255, %dma_wait3A_263, %dma_wait3A_264] : memref<4x8x1024xf32, #tpu.memory_space<vmem>> -> memref<1x8x1024xf32, #tpu.memory_space<vmem>>
    %dma_wait3A_266 = tpu.memref_squeeze %dma_wait3A_265 : memref<1x8x1024xf32, #tpu.memory_space<vmem>> -> memref<8x1024xf32, #tpu.memory_space<vmem>>
    %dma_wait3A_267 = arith.constant 0 : i32
    %dma_wait3A_268 = tpu.memref_slice %arg2[%dma_wait3A_254, %add3A_217, %dma_wait3A_267] : memref<4x8192x1024xf32, #tpu.memory_space<hbm>> -> memref<1x8x1024xf32, #tpu.memory_space<hbm>>
    %dma_wait3A_269 = tpu.memref_squeeze %dma_wait3A_268 : memref<1x8x1024xf32, #tpu.memory_space<hbm>> -> memref<8x1024xf32, #tpu.memory_space<hbm>>
    tpu.wait_dma2 semaphore(%arg12 : memref<!tpu.dma_semaphore, #tpu.memory_space<semaphore_mem>>) src(%dma_wait3A_269 : memref<8x1024xf32, #tpu.memory_space<hbm>>) dst(%dma_wait3A_266 : memref<8x1024xf32, #tpu.memory_space<vmem>>)
    %dma_wait3A_270 = arith.constant 3 : i32
    %dma_wait3A_271 = arith.constant 3 : i32
    %dma_wait3A_272 = arith.constant 0 : i32
    %dma_wait3A_273 = arith.constant 0 : i32
    %dma_wait3A_274 = tpu.memref_slice %arg6[%dma_wait3A_271, %dma_wait3A_272, %dma_wait3A_273] : memref<4x8x1024xf32, #tpu.memory_space<vmem>> -> memref<1x8x1024xf32, #tpu.memory_space<vmem>>
    %dma_wait3A_275 = tpu.memref_squeeze %dma_wait3A_274 : memref<1x8x1024xf32, #tpu.memory_space<vmem>> -> memref<8x1024xf32, #tpu.memory_space<vmem>>
    %dma_wait3A_276 = arith.constant 0 : i32
    %dma_wait3A_277 = tpu.memref_slice %arg2[%dma_wait3A_270, %add3A_217, %dma_wait3A_276] : memref<4x8192x1024xf32, #tpu.memory_space<hbm>> -> memref<1x8x1024xf32, #tpu.memory_space<hbm>>
    %dma_wait3A_278 = tpu.memref_squeeze %dma_wait3A_277 : memref<1x8x1024xf32, #tpu.memory_space<hbm>> -> memref<8x1024xf32, #tpu.memory_space<hbm>>
    %dma_wait3A_279 = arith.constant 0 : i32
    %dma_wait3A_280 = arith.constant 0 : i32
    %dma_wait3A_281 = tpu.memref_slice %arg6[%dma_wait3A_271, %dma_wait3A_279, %dma_wait3A_280] : memref<4x8x1024xf32, #tpu.memory_space<vmem>> -> memref<1x8x1024xf32, #tpu.memory_space<vmem>>
    %dma_wait3A_282 = tpu.memref_squeeze %dma_wait3A_281 : memref<1x8x1024xf32, #tpu.memory_space<vmem>> -> memref<8x1024xf32, #tpu.memory_space<vmem>>
    %dma_wait3A_283 = arith.constant 0 : i32
    %dma_wait3A_284 = tpu.memref_slice %arg2[%dma_wait3A_270, %add3A_217, %dma_wait3A_283] : memref<4x8192x1024xf32, #tpu.memory_space<hbm>> -> memref<1x8x1024xf32, #tpu.memory_space<hbm>>
    %dma_wait3A_285 = tpu.memref_squeeze %dma_wait3A_284 : memref<1x8x1024xf32, #tpu.memory_space<hbm>> -> memref<8x1024xf32, #tpu.memory_space<hbm>>
    tpu.wait_dma2 semaphore(%arg12 : memref<!tpu.dma_semaphore, #tpu.memory_space<semaphore_mem>>) src(%dma_wait3A_285 : memref<8x1024xf32, #tpu.memory_space<hbm>>) dst(%dma_wait3A_282 : memref<8x1024xf32, #tpu.memory_space<vmem>>)
    return
  }
}

</mosaic_0001>

<sc_bundles>
// kernel: kernel.3.cloned.1.call-start
scs
__scs_entry_jumppad:
0x0: {  	(pc) =	sbr.rel $0x88, $3  }
0x1: {  	(tag) =	ssettag $0x0;
	lr =	simm.s32 $0x1  }
0x2: {  	[smem:$0x3F9F] =	sst lr;
	_ =	strace $0xD0000000  }
0x3: {  	_ = 	snop  }
0x4: {  	_ = 	snop  }
0x5: {  	_ = 	snop  }
0x6: {  	_ = 	snop  }
0x7: {  	_ = 	snop  }
__scs_overlays_trampoline_lowered:
0x8: {  	[smem:$0x3FAE] =	sst s0  }
0x9: {  	[smem:$0x3FAF] =	sst s1  }
0xa: {  	[smem:$0x3FB0] =	sst s2  }
0xb: {  	[smem:$0x3FB1] =	sst s3  }
0xc: {  	[smem:$0x3FB2] =	sst s4  }
0xd: {  	[smem:$0x3FB3] =	sst s5  }
0xe: {  	[smem:$0x3FB4] =	sst s6  }
0xf: {  	[smem:$0x3FB5] =	sst s7  }
0x10: {  	[smem:$0x3FB6] =	sst s8  }
0x11: {  	[smem:$0x3FB7] =	sst s9;
	s0 =	simm.s32 @!p0 $0x0  }
0x12: {  	s1 =	sld [smem:$0x3F9D];
	s0 =	simm.s32 @p0 $0x1  }
0x13: {  	[smem:$0x3FB8] =	sst s0;
	s0 =	simm.s32 @!p1 $0x0  }
0x14: {  	s2 =	sld [smem:$0x3F9C];
	s0 =	simm.s32 @p1 $0x1  }
0x15: {  	[smem:$0x3FB9] =	sst s0;
	s0 =	simm.s32 @!p2 $0x0  }
0x16: {  	s3 =	sld [smem:$0x3FDB];
	s0 =	simm.s32 @p2 $0x1  }
0x17: {  	s4 =	simm.s32 $0x1BF5;
	[smem:$0x3FBB] =	sst s0  }
0x18: {  	s0 =	sld [smem:$0x3F9E];
	_ =	swait.ge [sflag:s4], $0x0  }
0x19: {  	s7 =	sld [smem:$0x3F9F]  }
0x1a: {  	s8 =	sadd.s32 $0xFFFFE003, lr  }
0x1b: {  	s9 =	sadd.s32 $0xFFFFFEF7, lr;
	s5 =	simm.s32 $0xFFFFFFFF;
	p2 =	slt.u32 s8, $0xFFFFF086  }
0x1c: {  	p1 =	slt.u32 s9, $0xF7A;
	s5 =	simm.s32 @!p2 $0x0  }
0x1d: {  	s5 =	simm.s32 @p1 $0x1;
	p0 =	seq.s32 s7, s2  }
0x1e: {  	s7 =	smul.u32 @!p0 $0xF7A, s2;
	p2 =	seq.s32 @!p0 s5, $0x0  }
0x1f: {  	s9 =	smul.u32 $0xF7A, s1;
	s8 =	simm.s32 @!p0 $0x1BF5;
	p2 =	por !p2, p0  }
0x20: {  	[sflag:s8] =	ssyncset.s32 @!p0 $0xFFFFF086;
	s6 =	sadd.s32 @!p0 s3, s7;
	s7 =	simm.s32 @!p0 $0x108  }
0x21: {  	s3 =	sadd.s32 s3, s9;
	s6 =	sadd.s32 @!p0 $0x88, s6;
	s7 =	simm.s32 @p2 $0x1082  }
0x22: {  	[simem:s7], [sflag:s8] =	dma.local @!p0 [hbm:s6], $0xF7A  }
0x23: {  	s9 =	sor.u32 $0xD0000000, s2;
	s6 =	simm.s32 $0x108;
	_ =	swait.ge @!p0 [sflag:s8], $0x0  }
0x24: {  	s3 =	sadd.s32 $0x88, s3;
	s6 =	simm.s32 @!p1 $0x1082;
	[sflag:s4] =	ssyncset.s32 $0xFFFFF086  }
0x25: {  	[simem:s6], [sflag:s4] =	dma.local [hbm:s3], $0xF7A  }
0x26: {  	[smem:$0x3F9F] =	sst s1;
	(tag) =	ssettag s2;
	_ =	strace s9  }
0x27: {  	s1 =	sld [smem:$0x3FAF]  }
0x28: {  	s2 =	sld [smem:$0x3FB0]  }
0x29: {  	s4 =	sld [smem:$0x3FB2]  }
0x2a: {  	p0 =	seq.s32 s5, $0x0;
	s5 =	sld [smem:$0x3FB3]  }
0x2b: {  	s6 =	sld [smem:$0x3FB4]  }
0x2c: {  	s7 =	sld [smem:$0x3FB5]  }
0x2d: {  	s3 =	simm.s32 $0x108;
	s8 =	sld [smem:$0x3FB6]  }
0x2e: {  	s3 =	simm.s32 @!p0 $0x1082;
	s9 =	sld [smem:$0x3FB7]  }
0x2f: {  	lr =	sadd.s32 s0, s3;
	s0 =	sld [smem:$0x3FAE]  }
0x30: {  	s3 =	sld [smem:$0x3FB1]  }
0x31: {  	[smem:$0x3FBA] =	sst s10  }
0x32: {  	s10 =	sld [smem:$0x3FB8];
	_ =	sdelay $0x3  }
0x33: {  	p0 =	seq.s32 s10, $0x1;
	s10 =	sld [smem:$0x3FBA];
	_ =	sdelay $0x3  }
0x34: {  	[smem:$0x3FBA] =	sst s10  }
0x35: {  	s10 =	sld [smem:$0x3FB9];
	_ =	sdelay $0x3  }
0x36: {  	p1 =	seq.s32 s10, $0x1;
	s10 =	sld [smem:$0x3FBA];
	_ =	sdelay $0x3  }
0x37: {  	[smem:$0x3FBA] =	sst s10  }
0x38: {  	s10 =	sld [smem:$0x3FBB]  }
0x39: {  	_ = 	snop;
	(pc) =	sbr.ind lr, $3  }
0x3a: {  	_ = 	snop  }
0x3b: {  	_ = 	snop  }
0x3c: {  	p2 =	seq.s32 s10, $0x1;
	s10 =	sld [smem:$0x3FBA]  }
0x3d: {  	_ =	shalt  }
0x3e: {  	_ =	shalt  }
0x3f: {  	_ =	shalt  }
0x40: {  	_ =	shalt  }
0x41: {  	_ =	shalt  }
0x42: {  	_ =	shalt  }
0x43: {  	_ =	shalt  }
0x44: {  	_ =	shalt  }
0x45: {  	_ =	shalt  }
0x46: {  	_ =	shalt  }
0x47: {  	_ =	shalt  }
0x48: {  	_ =	shalt  }
0x49: {  	_ =	shalt  }
0x4a: {  	_ =	shalt  }
0x4b: {  	_ =	shalt  }
0x4c: {  	_ =	shalt  }
0x4d: {  	_ =	shalt  }
0x4e: {  	_ =	shalt  }
0x4f: {  	_ =	shalt  }
0x50: {  	_ =	shalt  }
0x51: {  	_ =	shalt  }
0x52: {  	_ =	shalt  }
0x53: {  	_ =	shalt  }
0x54: {  	_ =	shalt  }
0x55: {  	_ =	shalt  }
0x56: {  	_ =	shalt  }
0x57: {  	_ =	shalt  }
0x58: {  	_ =	shalt  }
0x59: {  	_ =	shalt  }
0x5a: {  	_ =	shalt  }
0x5b: {  	_ =	shalt  }
0x5c: {  	_ =	shalt  }
0x5d: {  	_ =	shalt  }
0x5e: {  	_ =	shalt  }
0x5f: {  	_ =	shalt  }
0x60: {  	_ =	shalt  }
0x61: {  	_ =	shalt  }
0x62: {  	_ =	shalt  }
0x63: {  	_ =	shalt  }
0x64: {  	_ =	shalt  }
0x65: {  	_ =	shalt  }
0x66: {  	_ =	shalt  }
0x67: {  	_ =	shalt  }
0x68: {  	_ =	shalt  }
0x69: {  	_ =	shalt  }
0x6a: {  	_ =	shalt  }
0x6b: {  	_ =	shalt  }
0x6c: {  	_ =	shalt  }
0x6d: {  	_ =	shalt  }
0x6e: {  	_ =	shalt  }
0x6f: {  	_ =	shalt  }
0x70: {  	_ =	shalt  }
0x71: {  	_ =	shalt  }
0x72: {  	_ =	shalt  }
0x73: {  	_ =	shalt  }
0x74: {  	_ =	shalt  }
0x75: {  	_ =	shalt  }
0x76: {  	_ =	shalt  }
0x77: {  	_ =	shalt  }
0x78: {  	_ =	shalt  }
0x79: {  	_ =	shalt  }
0x7a: {  	_ =	shalt  }
0x7b: {  	_ =	shalt  }
0x7c: {  	_ =	shalt  }
0x7d: {  	_ =	shalt  }
0x7e: {  	_ =	shalt  }
0x7f: {  	_ =	shalt  }
0x80: {  	_ =	shalt  }
0x81: {  	_ =	shalt  }
0x82: {  	_ =	shalt  }
0x83: {  	_ =	shalt  }
0x84: {  	_ =	shalt  }
0x85: {  	_ =	shalt  }
0x86: {  	_ =	shalt  }
0x87: {  	_ =	shalt  }
.Lfunc_end0:
.L_simem_size_0:
called_computation_lowered:
.L_overlay_start_0:
0x88: {  	s2 =	sld [smem:$0x3FD9]  }
0x89: {  	s3 =	sld [smem:$0x3FFE];
	_ =	sdelay $0x1  }
0x8a: {  	s1 =	srdreg.scid  }
0x8b: {  	s0 =	sand.u32 $0x1, s1  }
0x8c: {  	s18 =	sshll.u32 s0, $0xA;
	s2 =	sadd.s32 s3, s2  }
0x8d: {  	s2 =	sadd.s32 s2, s18  }
0x8e: {  	[smem:$0x3FC6] =	sst s2  }
0x8f: {  	_ = 	snop  }
0x90: {  	s2 =	sld [smem:$0x3FC9]  }
0x91: {  	s19 =	sld [smem:$0x3FC8];
	(tm) =	ssettm $0x1  }
0x92: {  	s4 =	sld [smem:$0x3FFB];
	_ =	sdelay $0x3  }
0x93: {  	_ =	strace s4  }
0x94: {  	s4 =	sld [smem:$0x3FFC];
	_ =	sdelay $0x3  }
0x95: {  	_ =	strace s4  }
0x96: {  	s4 =	sld [smem:$0x3FFD];
	_ =	sdelay $0x3  }
0x97: {  	_ =	strace s4  }
0x98: {  	_ =	strace $0x8FFFFFFF  }
0x99: {  	s20 =	sld [smem:$0x3FDB];
	_ =	sdelay $0x1  }
0x9a: {  	s5 =	simm.s32 $_scs_section_size  }
0x9b: {  	s6 =	simm.s32 $_size__tile_overlayer_lowered;
	s7 =	simm.s32 $_tile_overlayer_lowered  }
0x9c: {  	s23 =	simm.s32 $0x1BFF;
	s22 =	sshll.u32 s7, $0x1;
	s4 =	sadd.s32 s5, s20  }
0x9d: {  	s8 =	simm.s32 $0x0;
	s21 =	sshll.u32 s6, $0x1;
	s6 =	sadd.s32 s22, s4  }
0x9e: {  	[timem:s8], [sflag:s23] =	dma.local [hbm:s6], s21  }
0x9f: {  	_ =	swait.ge [sflag:s23], s21  }
0xa0: {  	s5 =	ssub.s32 $0x0, s21;
	[sflag:s23] =	ssyncset.done $0x0  }
0xa1: {  	[sflag:s23] =	ssyncadd.s32 s5;
	_ =	sdelay $0x1  }
0xa2: {  	s24 =	simm.s32 $0x1B8B  }
0xa3: {  	_ =	swait.ge [sflag:s24], $0x1  }
0xa4: {  	[sflag:s24] =	ssyncset.done $0x0  }
0xa5: {  	s25 =	simm.s32 $0x1B8E;
	[sflag:s24] =	ssyncadd.s32 $0xFFFFFFFF  }
0xa6: {  	s26 =	simm.s32 $execute0_lowered;
	[smem:$0x3FD2] =	sst s25  }
0xa7: {  	s5 =	sshll.u32 s26, $0x1;
	_ =	strace $0x80000046;
	[dreg:$0x1] =	wrdreg $0xFFFFFFFF  }
0xa8: {  	s28 =	simm.s32 $_size_execute0_lowered;
	s4 =	sadd.s32 s4, s5;
	[dreg:$0x0] =	wrdreg $0x0  }
0xa9: {  	s5 =	sshll.u32 s28, $0x1;
	[dreg:$0x2] =	wrdreg s4  }
0xaa: {  	[dreg:$0x3] =	wrdreg s5  }
0xab: {  	[dreg:$0x4] =	wrdreg $0xC0  }
0xac: {  	_ =	task [dreg:s8], $0x5FFFF  }
0xad: {  	[dreg:$0x1] =	wrdreg $0xFFFFFFFF  }
0xae: {  	[dreg:$0x0] =	wrdreg $0x60  }
0xaf: {  	[dreg:$0x2] =	wrdreg s2  }
0xb0: {  	[dreg:$0x3] =	wrdreg s19  }
0xb1: {  	[dreg:$0x4] =	wrdreg $0x9  }
0xb2: {  	_ =	task.clear_ibuf [dreg:s8], $0x5FFFF;
	_ =	strace $0x90000046  }
0xb3: {  	s29 =	simm.s32 $0x9;
	_ =	strace $0x80000048  }
0xb4: {  	_ =	swait.ge [sflag:s29], $0x1  }
0xb5: {  	[sflag:s29] =	ssyncadd.s32 $0xFFFFFFFF  }
0xb6: {  	_ =	strace $0x90000048  }
0xb7: {  	_ =	sfence  }
0xb8: {  	s30 =	sld [smem:$0x0];
	_ =	sdelay $0x2  }
0xb9: {  	s31 =	sshll.u32 s1, $0xD;
	s1 =	sshrl.u32 s1, $0x2  }
0xba: {  	s3 =	sand.u32 $0x4000, s31;
	s1 =	sadd.s32 s1, s30  }
0xbb: {  	s0 =	sor.u32 s3, s0;
	s1 =	sshll.u32 s1, $0x11  }
0xbc: {  	s0 =	sor.u32 s1, s0  }
0xbd: {  	s0 =	sadd.s32 $0x8F2B, s0  }
0xbe: {  	[sflag:s0] =	ssyncadd.remote.s32 $0x1  }
0xbf: {  	_ =	sfence.sel $0xFFFF  }
0xc0: {  	[dreg:$0x0] =	wrdreg $0xFFFFFFFF;
	(pc) =	sbr.abs _section_cstart, $3  }
0xc1: {  	[dreg:$0x1] =	wrdreg $0xFFFFFFFF  }
0xc2: {  	_ =	task.clear_ibuf [dreg:s8], $0x2FFFF;
	_ =	strace $0x9FFFFFFF  }
0xc3: {  	(tm) =	ssettm $0x7FFFFFFF  }
tec
execute0_lowered:
.L_overlay_start_1:
0x0: {  	(tag) =	ssettag $0x1  }
0x1: {  	s1 =	rddreg [dreg:$0x0]  }
0x2: {  	s0 =	rddreg [dreg:$0x1]  }
0x3: {  	s3 =	simm.s32 $0x0;
	s2 =	srdreg.scid;
	s4 =	stileid.u32  }
0x4: {  	s16 =	simm.s32 $0x18000;
	s17 =	simm.s32 $0x2000;
	s18 =	simm.s32 $0x4000  }
0x5: {  	s19 =	simm.s32 $0x6000;
	s24 =	simm.s32 $0x1C000;
	s20 =	simm.s32 $0x1A000  }
0x6: {  	s25 =	simm.s32 $0x10000;
	s26 =	simm.s32 $0x12000;
	[smem:$0x7FF] =	sst s3  }
0x7: {  	s30 =	simm.s32 $0x14000;
	_ =	strace $0x80000047;
	[dreg:$0x3] =	wrdreg s24  }
0x8: {  	s31 =	simm.s32 $0x16000;
	s28 =	simm.s32 $0x3;
	[dreg:$0x4] =	wrdreg s25  }
0x9: {  	s29 =	simm.s32 $0x0;
	s2 =	sand.u32 $0x1, s2;
	[dreg:$0x5] =	wrdreg s26  }
0xa: {  	s4 =	sshll.u32 s4, $0x10;
	s5 =	ssub.s32 $0x2, s2;
	[dreg:$0x6] =	wrdreg s30  }
0xb: {  	s2 =	sshll.u32 s2, $0xF;
	s24 =	simm.s32 $0xE000;
	[dreg:$0x7] =	wrdreg s31  }
0xc: {  	s25 =	simm.s32 $0x1;
	s6 =	sshrl.u32 s5, $0x1;
	s4 =	sor.u32 s2, s4  }
0xd: {  	s26 =	simm.s32 $0x2;
	s21 =	ssub.s32 s5, s6;
	s6 =	sadd.s32 s4, s1  }
0xe: {  	s5 =	sadd.s32 s4, s0;
	s12 =	sor.u32 $0x400, s4;
	s7 =	sadd.s32 $0x100000, s6  }
0xf: {  	s22 =	sadd.s32 $0x200000, s6;
	s23 =	sadd.s32 $0x300000, s6;
	s0 =	sadd.s32 s0, s12  }
0x10: {  	s11 =	sadd.s32 $0x100400, s6;
	s12 =	sadd.s32 s1, s12;
	[dreg:$0x8] =	wrdreg s7  }
0x11: {  	s13 =	sadd.s32 $0x200400, s6;
	s14 =	sadd.s32 $0x300400, s6;
	[dreg:$0x9] =	wrdreg s22  }
0x12: {  	s15 =	smax.u32 s21, $0x1;
	s21 =	simm.s32 $0x8000;
	[dreg:$0xa] =	wrdreg s23  }
0x13: {  	[dreg:$0xb] =	wrdreg s0;
	s22 =	simm.s32 $0xA000;
	s23 =	simm.s32 $0xC000  }
.LBB2_1:
0x14: {  	[tilespmem:s16], [sflag:$0x1] =	stream.linear.gather [hbm4b:s5+s3], $0x2000, $0x38;
	[tilespmem:$0x1E000] =	vst v63  }
0x15: {  	_ = 	snop  }
0x16: {  	[tilespmem:s3], [sflag:$0x1] =	stream.linear.gather [hbm4b:s6+s3], $0x2000, $0x38;
	[tilespmem:$0x1E000] =	vst v63  }
0x17: {  	s0 =	rddreg [dreg:$0x8]  }
0x18: {  	[tilespmem:s17], [sflag:$0x1] =	stream.linear.gather [hbm4b:s0+s3], $0x2000, $0x38;
	[tilespmem:$0x1E000] =	vst v63  }
0x19: {  	s2 =	rddreg [dreg:$0x9]  }
0x1a: {  	[tilespmem:s18], [sflag:$0x1] =	stream.linear.gather [hbm4b:s2+s3], $0x2000, $0x38;
	[tilespmem:$0x1E000] =	vst v63  }
0x1b: {  	s7 =	rddreg [dreg:$0xa]  }
0x1c: {  	[tilespmem:s19], [sflag:$0x1] =	stream.linear.gather [hbm4b:s7+s3], $0x2000, $0x38;
	[tilespmem:$0x1E000] =	vst v63  }
0x1d: {  	s8 =	rddreg [dreg:$0xb]  }
0x1e: {  	[tilespmem:s20], [sflag:$0x2] =	stream.linear.gather [hbm4b:s8+s3], $0x2000, $0x38;
	[tilespmem:$0x1E000] =	vst v63  }
0x1f: {  	_ = 	snop  }
0x20: {  	[tilespmem:s21], [sflag:$0x2] =	stream.linear.gather [hbm4b:s12+s3], $0x2000, $0x38;
	[tilespmem:$0x1E000] =	vst v63  }
0x21: {  	_ = 	snop  }
0x22: {  	[tilespmem:s22], [sflag:$0x2] =	stream.linear.gather [hbm4b:s11+s3], $0x2000, $0x38;
	[tilespmem:$0x1E000] =	vst v63  }
0x23: {  	_ = 	snop  }
0x24: {  	[tilespmem:s23], [sflag:$0x2] =	stream.linear.gather [hbm4b:s13+s3], $0x2000, $0x38;
	[tilespmem:$0x1E000] =	vst v63  }
0x25: {  	_ = 	snop  }
0x26: {  	[tilespmem:s24], [sflag:$0x2] =	stream.linear.gather [hbm4b:s14+s3], $0x2000, $0x38;
	[tilespmem:$0x1E000] =	vst v63  }
0x27: {  	_ =	swait.ge [sflag:s25], $0x2000  }
0x28: {  	[sflag:s25] =	ssyncset.done $0x0  }
0x29: {  	[sflag:s25] =	ssyncadd.s32 $0xFFFFE000  }
0x2a: {  	_ =	swait.ge [sflag:s25], $0x2000  }
0x2b: {  	[sflag:s25] =	ssyncset.done $0x0  }
0x2c: {  	[sflag:s25] =	ssyncadd.s32 $0xFFFFE000  }
0x2d: {  	_ =	swait.ge [sflag:s25], $0x2000  }
0x2e: {  	[sflag:s25] =	ssyncset.done $0x0  }
0x2f: {  	[sflag:s25] =	ssyncadd.s32 $0xFFFFE000  }
0x30: {  	_ =	swait.ge [sflag:s25], $0x2000  }
0x31: {  	[sflag:s25] =	ssyncset.done $0x0  }
0x32: {  	[sflag:s25] =	ssyncadd.s32 $0xFFFFE000  }
0x33: {  	s30 =	sadd.s32 $0x0, s5;
	_ =	swait.ge [sflag:s25], $0x2000  }
0x34: {  	s31 =	sadd.s32 $0x800, s30;
	[sflag:s25] =	ssyncset.done $0x0  }
0x35: {  	s0 =	sadd.s32 $0x0, s6;
	s2 =	rddreg [dreg:$0x3];
	[sflag:s25] =	ssyncadd.s32 $0xFFFFE000  }
0x36: {  	[tilespmem:s2], [sflag:$0x3] =	stream.linear.gather [hbm4b:s31+s3], $0x2000, $0x38;
	[tilespmem:$0x1E000] =	vst v63  }
0x37: {  	s9 =	sadd.s32 $0x800, s0;
	s7 =	rddreg [dreg:$0x4];
	s2 =	sadd.s32 $0x0, s4  }
0x38: {  	[tilespmem:s7], [sflag:$0x3] =	stream.linear.gather [hbm4b:s9+s3], $0x2000, $0x38;
	[tilespmem:$0x1E000] =	vst v63  }
0x39: {  	s9 =	sadd.s32 $0x800, s2  }
0x3a: {  	s8 =	sadd.s32 $0x100800, s0;
	s10 =	rddreg [dreg:$0x5];
	s7 =	sor.u32 $0x200000, s9  }
0x3b: {  	[tilespmem:s10], [sflag:$0x3] =	stream.linear.gather [hbm4b:s8+s3], $0x2000, $0x38;
	[tilespmem:$0x1E000] =	vst v63  }
0x3c: {  	s10 =	rddreg [dreg:$0x6];
	s7 =	sadd.s32 s1, s7  }
0x3d: {  	[tilespmem:s10], [sflag:$0x3] =	stream.linear.gather [hbm4b:s7+s3], $0x2000, $0x38;
	[tilespmem:$0x1E000] =	vst v63  }
0x3e: {  	s31 =	sadd.s32 $0x300800, s0;
	s8 =	rddreg [dreg:$0x7]  }
0x3f: {  	[tilespmem:s8], [sflag:$0x3] =	stream.linear.gather [hbm4b:s31+s3], $0x2000, $0x38;
	[tilespmem:$0x1E000] =	vst v63  }
0x40: {  	_ =	swait.ge [sflag:s26], $0x2000  }
0x41: {  	[sflag:s26] =	ssyncset.done $0x0  }
0x42: {  	[sflag:s26] =	ssyncadd.s32 $0xFFFFE000  }
0x43: {  	_ =	swait.ge [sflag:s26], $0x2000  }
0x44: {  	[sflag:s26] =	ssyncset.done $0x0  }
0x45: {  	[sflag:s26] =	ssyncadd.s32 $0xFFFFE000  }
0x46: {  	_ =	swait.ge [sflag:s26], $0x2000  }
0x47: {  	[sflag:s26] =	ssyncset.done $0x0  }
0x48: {  	[sflag:s26] =	ssyncadd.s32 $0xFFFFE000  }
0x49: {  	_ =	swait.ge [sflag:s26], $0x2000  }
0x4a: {  	[sflag:s26] =	ssyncset.done $0x0  }
0x4b: {  	[sflag:s26] =	ssyncadd.s32 $0xFFFFE000  }
0x4c: {  	_ =	swait.ge [sflag:s26], $0x2000  }
0x4d: {  	[sflag:s26] =	ssyncset.done $0x0  }
0x4e: {  	s8 =	sadd.s32 $0xC00, s30;
	[sflag:s26] =	ssyncadd.s32 $0xFFFFE000  }
0x4f: {  	[tilespmem:s16], [sflag:$0x1] =	stream.linear.gather [hbm4b:s8+s3], $0x2000, $0x38;
	[tilespmem:$0x1E000] =	vst v63  }
0x50: {  	s9 =	sadd.s32 $0xC00, s0;
	s31 =	sadd.s32 $0xC00, s2  }
0x51: {  	[tilespmem:s3], [sflag:$0x1] =	stream.linear.gather [hbm4b:s9+s3], $0x2000, $0x38;
	[tilespmem:$0x1E000] =	vst v63  }
0x52: {  	s10 =	sadd.s32 $0x100C00, s0;
	s7 =	sor.u32 $0x200000, s31  }
0x53: {  	[tilespmem:s17], [sflag:$0x1] =	stream.linear.gather [hbm4b:s10+s3], $0x2000, $0x38;
	[tilespmem:$0x1E000] =	vst v63  }
0x54: {  	s7 =	sadd.s32 s1, s7  }
0x55: {  	[tilespmem:s18], [sflag:$0x1] =	stream.linear.gather [hbm4b:s7+s3], $0x2000, $0x38;
	[tilespmem:$0x1E000] =	vst v63  }
0x56: {  	s8 =	sadd.s32 $0x300C00, s0  }
0x57: {  	[tilespmem:s19], [sflag:$0x1] =	stream.linear.gather [hbm4b:s8+s3], $0x2000, $0x38;
	[tilespmem:$0x1E000] =	vst v63  }
0x58: {  	_ =	swait.ge [sflag:s28], $0x2000  }
0x59: {  	[sflag:s28] =	ssyncset.done $0x0  }
0x5a: {  	[sflag:s28] =	ssyncadd.s32 $0xFFFFE000  }
0x5b: {  	_ =	swait.ge [sflag:s28], $0x2000  }
0x5c: {  	[sflag:s28] =	ssyncset.done $0x0  }
0x5d: {  	[sflag:s28] =	ssyncadd.s32 $0xFFFFE000  }
0x5e: {  	_ =	swait.ge [sflag:s28], $0x2000  }
0x5f: {  	[sflag:s28] =	ssyncset.done $0x0  }
0x60: {  	[sflag:s28] =	ssyncadd.s32 $0xFFFFE000  }
0x61: {  	_ =	swait.ge [sflag:s28], $0x2000  }
0x62: {  	[sflag:s28] =	ssyncset.done $0x0  }
0x63: {  	[sflag:s28] =	ssyncadd.s32 $0xFFFFE000  }
0x64: {  	_ =	swait.ge [sflag:s28], $0x2000  }
0x65: {  	[sflag:s28] =	ssyncset.done $0x0  }
0x66: {  	s9 =	sadd.s32 $0x1000, s30;
	[sflag:s28] =	ssyncadd.s32 $0xFFFFE000  }
0x67: {  	[tilespmem:s20], [sflag:$0x2] =	stream.linear.gather [hbm4b:s9+s3], $0x2000, $0x38;
	[tilespmem:$0x1E000] =	vst v63  }
0x68: {  	s2 =	sadd.s32 $0x1000, s2;
	s10 =	sadd.s32 $0x1000, s0  }
0x69: {  	[tilespmem:s21], [sflag:$0x2] =	stream.linear.gather [hbm4b:s10+s3], $0x2000, $0x38;
	[tilespmem:$0x1E000] =	vst v63  }
0x6a: {  	s31 =	sadd.s32 $0x101000, s0;
	s2 =	sor.u32 $0x200000, s2  }
0x6b: {  	[tilespmem:s22], [sflag:$0x2] =	stream.linear.gather [hbm4b:s31+s3], $0x2000, $0x38;
	[tilespmem:$0x1E000] =	vst v63  }
0x6c: {  	s2 =	sadd.s32 s1, s2;
	s30 =	simm.s32 $0xC00;
	s0 =	sadd.s32 $0x301000, s0  }
0x6d: {  	[tilespmem:s23], [sflag:$0x2] =	stream.linear.gather [hbm4b:s2+s3], $0x2000, $0x38;
	[tilespmem:$0x1E000] =	vst v63  }
.LBB2_2:
0x6e: {  	[tilespmem:s24], [sflag:$0x2] =	stream.linear.gather [hbm4b:s0+s3], $0x2000, $0x38;
	[tilespmem:$0x1E000] =	vst v63  }
0x6f: {  	_ =	swait.ge [sflag:s25], $0x2000  }
0x70: {  	[sflag:s25] =	ssyncset.done $0x0  }
0x71: {  	[sflag:s25] =	ssyncadd.s32 $0xFFFFE000  }
0x72: {  	_ =	swait.ge [sflag:s25], $0x2000  }
0x73: {  	[sflag:s25] =	ssyncset.done $0x0  }
0x74: {  	[sflag:s25] =	ssyncadd.s32 $0xFFFFE000  }
0x75: {  	_ =	swait.ge [sflag:s25], $0x2000  }
0x76: {  	[sflag:s25] =	ssyncset.done $0x0  }
0x77: {  	[sflag:s25] =	ssyncadd.s32 $0xFFFFE000  }
0x78: {  	_ =	swait.ge [sflag:s25], $0x2000  }
0x79: {  	[sflag:s25] =	ssyncset.done $0x0  }
0x7a: {  	s2 =	smov.u32 s30;
	[sflag:s25] =	ssyncadd.s32 $0xFFFFE000  }
0x7b: {  	s0 =	sadd.s32 s2, s5;
	_ =	swait.ge [sflag:s25], $0x2000  }
0x7c: {  	s31 =	sadd.s32 s2, s6;
	s2 =	sadd.s32 s2, s4;
	[sflag:s25] =	ssyncset.done $0x0  }
0x7d: {  	s8 =	sadd.s32 $0x800, s0;
	s7 =	rddreg [dreg:$0x3];
	[sflag:s25] =	ssyncadd.s32 $0xFFFFE000  }
0x7e: {  	[tilespmem:s7], [sflag:$0x3] =	stream.linear.gather [hbm4b:s8+s3], $0x2000, $0x38;
	[tilespmem:$0x1E000] =	vst v63  }
0x7f: {  	s10 =	sadd.s32 $0x800, s31;
	s9 =	rddreg [dreg:$0x4];
	s7 =	sadd.s32 $0x800, s2  }
0x80: {  	[tilespmem:s9], [sflag:$0x3] =	stream.linear.gather [hbm4b:s10+s3], $0x2000, $0x38;
	[tilespmem:$0x1E000] =	vst v63  }
0x81: {  	s8 =	rddreg [dreg:$0x5];
	s7 =	sor.u32 $0x200000, s7;
	s9 =	sadd.s32 $0x100800, s31  }
0x82: {  	[tilespmem:s8], [sflag:$0x3] =	stream.linear.gather [hbm4b:s9+s3], $0x2000, $0x38;
	[tilespmem:$0x1E000] =	vst v63  }
0x83: {  	s10 =	rddreg [dreg:$0x6];
	s7 =	sadd.s32 s1, s7  }
0x84: {  	[tilespmem:s10], [sflag:$0x3] =	stream.linear.gather [hbm4b:s7+s3], $0x2000, $0x38;
	[tilespmem:$0x1E000] =	vst v63  }
0x85: {  	s8 =	rddreg [dreg:$0x7];
	s10 =	sadd.s32 $0x300800, s31  }
0x86: {  	[tilespmem:s8], [sflag:$0x3] =	stream.linear.gather [hbm4b:s10+s3], $0x2000, $0x38;
	[tilespmem:$0x1E000] =	vst v63  }
0x87: {  	_ =	swait.ge [sflag:s26], $0x2000  }
0x88: {  	[sflag:s26] =	ssyncset.done $0x0  }
0x89: {  	[sflag:s26] =	ssyncadd.s32 $0xFFFFE000  }
0x8a: {  	_ =	swait.ge [sflag:s26], $0x2000  }
0x8b: {  	[sflag:s26] =	ssyncset.done $0x0  }
0x8c: {  	[sflag:s26] =	ssyncadd.s32 $0xFFFFE000  }
0x8d: {  	_ =	swait.ge [sflag:s26], $0x2000  }
0x8e: {  	[sflag:s26] =	ssyncset.done $0x0  }
0x8f: {  	[sflag:s26] =	ssyncadd.s32 $0xFFFFE000  }
0x90: {  	_ =	swait.ge [sflag:s26], $0x2000  }
0x91: {  	[sflag:s26] =	ssyncset.done $0x0  }
0x92: {  	[sflag:s26] =	ssyncadd.s32 $0xFFFFE000  }
0x93: {  	_ =	swait.ge [sflag:s26], $0x2000  }
0x94: {  	[sflag:s26] =	ssyncset.done $0x0  }
0x95: {  	s10 =	sadd.s32 $0xC00, s0;
	[sflag:s26] =	ssyncadd.s32 $0xFFFFE000  }
0x96: {  	[tilespmem:s16], [sflag:$0x1] =	stream.linear.gather [hbm4b:s10+s3], $0x2000, $0x38;
	[tilespmem:$0x1E000] =	vst v63  }
0x97: {  	s9 =	sadd.s32 $0xC00, s2;
	s8 =	sadd.s32 $0xC00, s31  }
0x98: {  	[tilespmem:s3], [sflag:$0x1] =	stream.linear.gather [hbm4b:s8+s3], $0x2000, $0x38;
	[tilespmem:$0x1E000] =	vst v63  }
0x99: {  	s9 =	sor.u32 $0x200000, s9;
	s10 =	sadd.s32 $0x100C00, s31  }
0x9a: {  	[tilespmem:s17], [sflag:$0x1] =	stream.linear.gather [hbm4b:s10+s3], $0x2000, $0x38;
	[tilespmem:$0x1E000] =	vst v63  }
0x9b: {  	s9 =	sadd.s32 s1, s9  }
0x9c: {  	[tilespmem:s18], [sflag:$0x1] =	stream.linear.gather [hbm4b:s9+s3], $0x2000, $0x38;
	[tilespmem:$0x1E000] =	vst v63  }
0x9d: {  	s10 =	sadd.s32 $0x300C00, s31  }
0x9e: {  	[tilespmem:s19], [sflag:$0x1] =	stream.linear.gather [hbm4b:s10+s3], $0x2000, $0x38;
	[tilespmem:$0x1E000] =	vst v63  }
0x9f: {  	_ =	swait.ge [sflag:s28], $0x2000  }
0xa0: {  	[sflag:s28] =	ssyncset.done $0x0  }
0xa1: {  	[sflag:s28] =	ssyncadd.s32 $0xFFFFE000  }
0xa2: {  	_ =	swait.ge [sflag:s28], $0x2000  }
0xa3: {  	[sflag:s28] =	ssyncset.done $0x0  }
0xa4: {  	[sflag:s28] =	ssyncadd.s32 $0xFFFFE000  }
0xa5: {  	_ =	swait.ge [sflag:s28], $0x2000  }
0xa6: {  	[sflag:s28] =	ssyncset.done $0x0  }
0xa7: {  	[sflag:s28] =	ssyncadd.s32 $0xFFFFE000  }
0xa8: {  	_ =	swait.ge [sflag:s28], $0x2000  }
0xa9: {  	[sflag:s28] =	ssyncset.done $0x0  }
0xaa: {  	[sflag:s28] =	ssyncadd.s32 $0xFFFFE000  }
0xab: {  	_ =	swait.ge [sflag:s28], $0x2000  }
0xac: {  	[sflag:s28] =	ssyncset.done $0x0  }
0xad: {  	s0 =	sadd.s32 $0x1000, s0;
	[sflag:s28] =	ssyncadd.s32 $0xFFFFE000  }
0xae: {  	[tilespmem:s20], [sflag:$0x2] =	stream.linear.gather [hbm4b:s0+s3], $0x2000, $0x38;
	[tilespmem:$0x1E000] =	vst v63  }
0xaf: {  	p0 =	sne.s32 s30, $0x6C00;
	s9 =	sadd.s32 $0x1000, s31  }
0xb0: {  	[tilespmem:s21], [sflag:$0x2] =	stream.linear.gather [hbm4b:s9+s3], $0x2000, $0x38;
	[tilespmem:$0x1E000] =	vst v63  }
.Ltmp0:
0xb1: {  	s2 =	sadd.s32 $0x1000, s2;
	(pc) =	sbr.rel @p0 .LBB2_2-.Ltmp0, $4  }
0xb2: {  	s2 =	sor.u32 $0x200000, s2;
	s10 =	sadd.s32 $0x101000, s31  }
0xb3: {  	[tilespmem:s22], [sflag:$0x2] =	stream.linear.gather [hbm4b:s10+s3], $0x2000, $0x38;
	[tilespmem:$0x1E000] =	vst v63  }
0xb4: {  	s30 =	sadd.s32 $0xC00, s30;
	s2 =	sadd.s32 s1, s2;
	s0 =	sadd.s32 $0x301000, s31  }
0xb5: {  	[tilespmem:s23], [sflag:$0x2] =	stream.linear.gather [hbm4b:s2+s3], $0x2000, $0x38;
	[tilespmem:$0x1E000] =	vst v63  }
0xb6: {  	[tilespmem:s24], [sflag:$0x2] =	stream.linear.gather [hbm4b:s0+s3], $0x2000, $0x38;
	[tilespmem:$0x1E000] =	vst v63  }
0xb7: {  	_ =	swait.ge [sflag:s25], $0x2000  }
0xb8: {  	[sflag:s25] =	ssyncset.done $0x0  }
0xb9: {  	[sflag:s25] =	ssyncadd.s32 $0xFFFFE000  }
0xba: {  	_ =	swait.ge [sflag:s25], $0x2000  }
0xbb: {  	[sflag:s25] =	ssyncset.done $0x0  }
0xbc: {  	[sflag:s25] =	ssyncadd.s32 $0xFFFFE000  }
0xbd: {  	_ =	swait.ge [sflag:s25], $0x2000  }
0xbe: {  	[sflag:s25] =	ssyncset.done $0x0  }
0xbf: {  	[sflag:s25] =	ssyncadd.s32 $0xFFFFE000  }
0xc0: {  	_ =	swait.ge [sflag:s25], $0x2000  }
0xc1: {  	[sflag:s25] =	ssyncset.done $0x0  }
0xc2: {  	[sflag:s25] =	ssyncadd.s32 $0xFFFFE000  }
0xc3: {  	_ =	swait.ge [sflag:s25], $0x2000  }
0xc4: {  	[sflag:s25] =	ssyncset.done $0x0  }
0xc5: {  	[sflag:s25] =	ssyncadd.s32 $0xFFFFE000  }
0xc6: {  	_ =	swait.ge [sflag:s26], $0x2000  }
0xc7: {  	[sflag:s26] =	ssyncset.done $0x0  }
0xc8: {  	[sflag:s26] =	ssyncadd.s32 $0xFFFFE000  }
0xc9: {  	_ =	swait.ge [sflag:s26], $0x2000  }
0xca: {  	[sflag:s26] =	ssyncset.done $0x0  }
0xcb: {  	[sflag:s26] =	ssyncadd.s32 $0xFFFFE000  }
0xcc: {  	_ =	swait.ge [sflag:s26], $0x2000  }
0xcd: {  	[sflag:s26] =	ssyncset.done $0x0  }
0xce: {  	s29 =	sadd.s32 $0x1, s29;
	[sflag:s26] =	ssyncadd.s32 $0xFFFFE000  }
0xcf: {  	p0 =	sne.s32 s29, s15;
	_ =	swait.ge [sflag:s26], $0x2000  }
.Ltmp1:
0xd0: {  	[sflag:s26] =	ssyncset.done $0x0;
	(pc) =	sbr.rel @p0 .LBB2_1-.Ltmp1, $4  }
0xd1: {  	[sflag:s26] =	ssyncadd.s32 $0xFFFFE000  }
0xd2: {  	_ =	swait.ge [sflag:s26], $0x2000  }
0xd3: {  	[sflag:s26] =	ssyncset.done $0x0  }
0xd4: {  	[sflag:s26] =	ssyncadd.s32 $0xFFFFE000  }
0xd5: {  	_ =	sfence.sel $0x180000  }
0xd6: {  	[bflag:$0x0] =	sbarrier.arrive $0xFFFF  }
0xd7: {  	_ =	strace $0x90000047  }
0xd8: {  	s0 =	stileid.u32;
	[bflag:$0x2] =	sbarrier.arrive $0xFFFF  }
0xd9: {  	p0 =	sne.s32 s0, $0x0;
	s0 =	rddreg [dreg:$0x2]  }
0xda: {  	s0 =	sadd.s32 @!p0 $0x100000, s0  }
0xdb: {  	[sflag:s0] =	ssyncadd.tile.s32 @!p0 $0x1;
	_ =	shalt  }
.Lfunc_end2:
_tile_overlayer_lowered:
.L_overlay_start_2:
0xdc: {  	(tag) =	ssettag $0x2  }
0xdd: {  	s0 =	rddreg [dreg:$0x0];
	s2 =	stileid.u32  }
0xde: {  	s1 =	rddreg [dreg:$0x1];
	p0 =	sne.s32 s2, $0x0  }
0xdf: {  	s3 =	rddreg [dreg:$0x2];
	[bflag:$0x3] =	sbarrier.arrive $0xFFFF;
	s2 =	simm.s32 @!p0 $0x1C04  }
0xe0: {  	[timem:s3], [sflag:s2] =	dma.local @!p0 [hbm:s0], s1  }
0xe1: {  	s0 =	simm.s32 @!p0 $0x4  }
0xe2: {  	_ =	swait.ge @!p0 [sflag:s0], s1  }
0xe3: {  	s1 =	ssub.s32 @!p0 $0x0, s1;
	[sflag:s0] =	ssyncset.done @!p0 $0x0  }
0xe4: {  	[sflag:s0] =	ssyncadd.s32 @!p0 s1  }
0xe5: {  	[bflag:$0x3] =	sbarrier.arrive $0xFFFF  }
0xe6: {  	_ =	shalt  }

</sc_bundles>
